<compile_context>
chip_gen: v7x
topology: tpu7x:2x2x1
jax: 0.10.2.dev20260603
libtpu: 0.0.44.dev20260713+nightly
codegen_flags: <defaults>
</compile_context>

<pallas_src>
import functools

import jax
import jax.numpy as jnp
from jax import lax
from jax.experimental import pallas as pl
from jax.experimental.pallas import tpu as pltpu
from jax.experimental.pallas import tpu_sc as plsc

D_MODEL = 2048
BATCH = 4
SEQ = 2048
B_TOTAL = BATCH * SEQ
NUM_CORES = 2
NUM_SUBCORES = 16
NW = NUM_CORES * NUM_SUBCORES
B_PER_W = B_TOTAL // NW
W_PER_ROW = SEQ // B_PER_W
CHUNK = 8
N_CHUNKS = B_PER_W // CHUNK
NBUF = 7


def _make_gather_kernel():
    mesh = plsc.VectorSubcoreMesh(core_axis_name="c", subcore_axis_name="s")

    @functools.partial(
        pl.kernel,
        mesh=mesh,
        out_type=jax.ShapeDtypeStruct((B_TOTAL, D_MODEL), jnp.float32),
        scratch_types=[pltpu.VMEM((B_PER_W,), jnp.int32)]
        + [pltpu.VMEM((CHUNK, D_MODEL), jnp.float32) for _ in range(NBUF)]
        + [pltpu.SemaphoreType.DMA for _ in range(2 * NBUF)],
    )
    def gather_kernel(x_hbm, table_hbm, out_hbm, idx_v, *bufs_and_sems):
        bufs = bufs_and_sems[:NBUF]
        gsems = bufs_and_sems[NBUF:2 * NBUF]
        wsems = bufs_and_sems[2 * NBUF:]
        wid = lax.axis_index("s") * NUM_CORES + lax.axis_index("c")
        base = wid * B_PER_W
        pltpu.sync_copy(
            x_hbm.at[wid // W_PER_ROW, pl.ds((wid % W_PER_ROW) * B_PER_W, B_PER_W)],
            idx_v,
        )

        def start_gather(j, b):
            return pltpu.async_copy(
                table_hbm.at[idx_v.at[pl.ds(j * CHUNK, CHUNK)]], bufs[b], gsems[b]
            )

        def start_write(j, b):
            return pltpu.async_copy(
                bufs[b], out_hbm.at[pl.ds(base + j * CHUNK, CHUNK)], wsems[b]
            )

        WLAG = 2
        gh = {}
        wh = {}
        waited = set()
        for j in range(NBUF):
            gh[j] = start_gather(j, j)
        for j in range(N_CHUNKS):
            gh[j].wait()
            wh[j] = start_write(j, j % NBUF)
            m = j - WLAG
            if m >= 0 and m + NBUF < N_CHUNKS:
                wh[m].wait()
                waited.add(m)
                gh[m + NBUF] = start_gather(m + NBUF, m % NBUF)
        for j in range(N_CHUNKS):
            if j not in waited:
                wh[j].wait()

    return gather_kernel


_gather = _make_gather_kernel()


def kernel(x, embedding):
    out = _gather(x.astype(jnp.int32), embedding)
    return out.reshape(x.shape[0], x.shape[1], D_MODEL)

# --- scband reference (transcript-rebuilt; emitter-appended) ---
"""Pipeline reference for scband-embedding-shard-58445914964704 (READ-ONLY COPY).

The authoritative reference and input builder live on the scoring server;
editing this copy changes nothing except your own understanding.
"""

import jax, jax.numpy as jnp
import numpy as np

N_VOCAB = 100000
D_MODEL = 2048
BATCH = 4
SEQ = 2048

def setup_inputs(seed: int = 0) -> dict:
    key = jax.random.key(seed)
    k_x, k_emb = jax.random.split(key)
    x = jax.random.randint(k_x, (BATCH, SEQ), 0, N_VOCAB, dtype=jnp.int64 if jax.config.jax_enable_x64 else jnp.int32)
    embedding = jax.random.normal(k_emb, (N_VOCAB, D_MODEL), dtype=jnp.float32) * 0.02
    return {"x": x, "embedding": embedding}

def reference(x, embedding):
    # EmbeddingShard.__call__ returns self.embed_layer(x) immediately
    # (all code after the early `return` is dead). nn.Embed == table gather.
    return jnp.take(embedding, x, axis=0)

if __name__ == "__main__":
    import jax
    _d = setup_inputs()
    print(jax.jit(kernel)(*tuple(_d.values())))

</pallas_src>

<mosaic_0001>
#map = affine_map<(d0, d1) -> (0, 0)>
module attributes {stable_mosaic.version = 14 : i64} {
  func.func @gather_kernel(%arg0: i32, %arg1: i32, %arg2: memref<4x2048xi32, #tpu.memory_space<hbm>>, %arg3: memref<100000x2048xf32, #tpu.memory_space<hbm>>, %arg4: memref<8192x2048xf32, #tpu.memory_space<hbm>>, %arg5: memref<256xi32, #tpu.memory_space<vmem>>, %arg6: memref<8x2048xf32, #tpu.memory_space<vmem>>, %arg7: memref<8x2048xf32, #tpu.memory_space<vmem>>, %arg8: memref<8x2048xf32, #tpu.memory_space<vmem>>, %arg9: memref<8x2048xf32, #tpu.memory_space<vmem>>, %arg10: memref<8x2048xf32, #tpu.memory_space<vmem>>, %arg11: memref<8x2048xf32, #tpu.memory_space<vmem>>, %arg12: memref<8x2048xf32, #tpu.memory_space<vmem>>, %arg13: memref<!tpu.dma_semaphore, #tpu.memory_space<semaphore_mem>>, %arg14: memref<!tpu.dma_semaphore, #tpu.memory_space<semaphore_mem>>, %arg15: memref<!tpu.dma_semaphore, #tpu.memory_space<semaphore_mem>>, %arg16: memref<!tpu.dma_semaphore, #tpu.memory_space<semaphore_mem>>, %arg17: memref<!tpu.dma_semaphore, #tpu.memory_space<semaphore_mem>>, %arg18: memref<!tpu.dma_semaphore, #tpu.memory_space<semaphore_mem>>, %arg19: memref<!tpu.dma_semaphore, #tpu.memory_space<semaphore_mem>>, %arg20: memref<!tpu.dma_semaphore, #tpu.memory_space<semaphore_mem>>, %arg21: memref<!tpu.dma_semaphore, #tpu.memory_space<semaphore_mem>>, %arg22: memref<!tpu.dma_semaphore, #tpu.memory_space<semaphore_mem>>, %arg23: memref<!tpu.dma_semaphore, #tpu.memory_space<semaphore_mem>>, %arg24: memref<!tpu.dma_semaphore, #tpu.memory_space<semaphore_mem>>, %arg25: memref<!tpu.dma_semaphore, #tpu.memory_space<semaphore_mem>>, %arg26: memref<!tpu.dma_semaphore, #tpu.memory_space<semaphore_mem>>) attributes {dimension_semantics = [#tpu.dimension_semantics<core_parallel>, #tpu.dimension_semantics<subcore_parallel>], iteration_bounds = array<i64: 2, 16>, scalar_prefetch = 0 : i64, scratch_operands = 22 : i64, tpu.core_type = #tpu.core_type<sc_vector_subcore>, window_params = [{transform_indices = #map}, {transform_indices = #map}, {transform_indices = #map}]} {
    %mul3A = arith.constant 2 : i32
    %mul3A_0 = arith.muli %arg1, %mul3A : i32
    %add3A = arith.addi %mul3A_0, %arg0 : i32
    %mul3A_1 = arith.constant 256 : i32
    %mul3A_2 = arith.muli %add3A, %mul3A_1 : i32
    %jit3A = arith.constant 8 : i32
    %div3A = arith.divsi %add3A, %jit3A : i32
    %sign3A = arith.constant 0 : i32
    %sign3A_3 = arith.cmpi sgt, %add3A, %sign3A : i32
    %sign3A_4 = arith.extui %sign3A_3 : i1 to i32
    %sign3A_5 = arith.constant 0 : i32
    %sign3A_6 = arith.cmpi slt, %add3A, %sign3A_5 : i32
    %sign3A_7 = arith.extui %sign3A_6 : i1 to i32
    %sign3A_8 = arith.subi %sign3A_4, %sign3A_7 : i32
    %sign3A_9 = arith.constant 0 : i32
    %sign3A_10 = arith.cmpi sgt, %jit3A, %sign3A_9 : i32
    %sign3A_11 = arith.extui %sign3A_10 : i1 to i32
    %sign3A_12 = arith.constant 0 : i32
    %sign3A_13 = arith.cmpi slt, %jit3A, %sign3A_12 : i32
    %sign3A_14 = arith.extui %sign3A_13 : i1 to i32
    %sign3A_15 = arith.subi %sign3A_11, %sign3A_14 : i32
    %ne3A = arith.cmpi ne, %sign3A_8, %sign3A_15 : i32
    %rem3A = arith.remsi %add3A, %jit3A : i32
    %ne3A_16 = arith.constant 0 : i32
    %ne3A_17 = arith.cmpi ne, %rem3A, %ne3A_16 : i32
    %and3A = arith.andi %ne3A, %ne3A_17 : i1
    %sub3A = arith.constant 1 : i32
    %sub3A_18 = arith.subi %div3A, %sub3A : i32
    %select_n3A = arith.select %and3A, %sub3A_18, %div3A : i32
    %jit3A_19 = arith.constant 8 : i32
    %eq3A = arith.constant 0 : i32
    %eq3A_20 = arith.cmpi eq, %jit3A_19, %eq3A : i32
    %jit3A_21 = arith.constant 1 : i32
    %select_n3A_22 = arith.select %eq3A_20, %jit3A_21, %jit3A_19 : i32
    %rem3A_23 = arith.remsi %add3A, %select_n3A_22 : i32
    %ne3A_24 = arith.constant 0 : i32
    %ne3A_25 = arith.cmpi ne, %rem3A_23, %ne3A_24 : i32
    %lt3A = arith.constant 0 : i32
    %lt3A_26 = arith.cmpi slt, %rem3A_23, %lt3A : i32
    %lt3A_27 = arith.constant 0 : i32
    %lt3A_28 = arith.cmpi slt, %select_n3A_22, %lt3A_27 : i32
    %ne3A_29 = arith.xori %lt3A_26, %lt3A_28 : i1
    %and3A_30 = arith.andi %ne3A_29, %ne3A_25 : i1
    %add3A_31 = arith.addi %rem3A_23, %select_n3A_22 : i32
    %select_n3A_32 = arith.select %and3A_30, %add3A_31, %rem3A_23 : i32
    %mul3A_33 = arith.constant 256 : i32
    %mul3A_34 = arith.muli %select_n3A_32, %mul3A_33 : i32
    "tpu.region"() ({
      %run_scoped3A = tpu.sem_alloc : memref<!tpu.dma_semaphore, #tpu.memory_space<semaphore_mem>>
      %dma_start3A_673 = tpu.memref_slice %arg2[%select_n3A, %mul3A_34] : memref<4x2048xi32, #tpu.memory_space<hbm>> -> memref<1x256xi32, #tpu.memory_space<hbm>>
      %dma_start3A_674 = tpu.memref_squeeze %dma_start3A_673 : memref<1x256xi32, #tpu.memory_space<hbm>> -> memref<256xi32, #tpu.memory_space<hbm>>
      %dma_start3A_675 = tpu.memref_slice %arg2[%select_n3A, %mul3A_34] : memref<4x2048xi32, #tpu.memory_space<hbm>> -> memref<1x256xi32, #tpu.memory_space<hbm>>
      %dma_start3A_676 = tpu.memref_squeeze %dma_start3A_675 : memref<1x256xi32, #tpu.memory_space<hbm>> -> memref<256xi32, #tpu.memory_space<hbm>>
      tpu.enqueue_dma source(%dma_start3A_676 : memref<256xi32, #tpu.memory_space<hbm>>) target(%arg5 : memref<256xi32, #tpu.memory_space<vmem>>) target_semaphore(%run_scoped3A : memref<!tpu.dma_semaphore, #tpu.memory_space<semaphore_mem>>)
      %dma_wait3A_677 = tpu.memref_slice %arg2[%select_n3A, %mul3A_34] : memref<4x2048xi32, #tpu.memory_space<hbm>> -> memref<1x256xi32, #tpu.memory_space<hbm>>
      %dma_wait3A_678 = tpu.memref_squeeze %dma_wait3A_677 : memref<1x256xi32, #tpu.memory_space<hbm>> -> memref<256xi32, #tpu.memory_space<hbm>>
      %dma_wait3A_679 = tpu.memref_slice %arg2[%select_n3A, %mul3A_34] : memref<4x2048xi32, #tpu.memory_space<hbm>> -> memref<1x256xi32, #tpu.memory_space<hbm>>
      %dma_wait3A_680 = tpu.memref_squeeze %dma_wait3A_679 : memref<1x256xi32, #tpu.memory_space<hbm>> -> memref<256xi32, #tpu.memory_space<hbm>>
      tpu.wait_dma2 semaphore(%run_scoped3A : memref<!tpu.dma_semaphore, #tpu.memory_space<semaphore_mem>>) src(%dma_wait3A_680 : memref<256xi32, #tpu.memory_space<hbm>>) dst(%arg5 : memref<256xi32, #tpu.memory_space<vmem>>)
      tpu.yield
    }) : () -> ()
    %dma_start3A = arith.constant 0 : i32
    %dma_start3A_35 = tpu.memref_slice %arg5[%dma_start3A] : memref<256xi32, #tpu.memory_space<vmem>> -> memref<8xi32, #tpu.memory_space<vmem>>
    %dma_start3A_36 = arith.constant 0 : i32
    %dma_start3A_37 = arith.constant 0 : i32
    %dma_start3A_38 = tpu.memref_slice %arg3[%dma_start3A_36, %dma_start3A_37] : memref<100000x2048xf32, #tpu.memory_space<hbm>> -> memref<100000x2048xf32, #tpu.memory_space<hbm>>
    tpu.enqueue_indirect_dma source(%dma_start3A_38 : memref<100000x2048xf32, #tpu.memory_space<hbm>>) target(%arg6 : memref<8x2048xf32, #tpu.memory_space<vmem>>) offsets(%dma_start3A_35 : memref<8xi32, #tpu.memory_space<vmem>>) semaphore(%arg13 : memref<!tpu.dma_semaphore, #tpu.memory_space<semaphore_mem>>)
    %dma_start3A_39 = arith.constant 8 : i32
    %dma_start3A_40 = tpu.memref_slice %arg5[%dma_start3A_39] : memref<256xi32, #tpu.memory_space<vmem>> -> memref<8xi32, #tpu.memory_space<vmem>>
    %dma_start3A_41 = arith.constant 0 : i32
    %dma_start3A_42 = arith.constant 0 : i32
    %dma_start3A_43 = tpu.memref_slice %arg3[%dma_start3A_41, %dma_start3A_42] : memref<100000x2048xf32, #tpu.memory_space<hbm>> -> memref<100000x2048xf32, #tpu.memory_space<hbm>>
    tpu.enqueue_indirect_dma source(%dma_start3A_43 : memref<100000x2048xf32, #tpu.memory_space<hbm>>) target(%arg7 : memref<8x2048xf32, #tpu.memory_space<vmem>>) offsets(%dma_start3A_40 : memref<8xi32, #tpu.memory_space<vmem>>) semaphore(%arg14 : memref<!tpu.dma_semaphore, #tpu.memory_space<semaphore_mem>>)
    %dma_start3A_44 = arith.constant 16 : i32
    %dma_start3A_45 = tpu.memref_slice %arg5[%dma_start3A_44] : memref<256xi32, #tpu.memory_space<vmem>> -> memref<8xi32, #tpu.memory_space<vmem>>
    %dma_start3A_46 = arith.constant 0 : i32
    %dma_start3A_47 = arith.constant 0 : i32
    %dma_start3A_48 = tpu.memref_slice %arg3[%dma_start3A_46, %dma_start3A_47] : memref<100000x2048xf32, #tpu.memory_space<hbm>> -> memref<100000x2048xf32, #tpu.memory_space<hbm>>
    tpu.enqueue_indirect_dma source(%dma_start3A_48 : memref<100000x2048xf32, #tpu.memory_space<hbm>>) target(%arg8 : memref<8x2048xf32, #tpu.memory_space<vmem>>) offsets(%dma_start3A_45 : memref<8xi32, #tpu.memory_space<vmem>>) semaphore(%arg15 : memref<!tpu.dma_semaphore, #tpu.memory_space<semaphore_mem>>)
    %dma_start3A_49 = arith.constant 24 : i32
    %dma_start3A_50 = tpu.memref_slice %arg5[%dma_start3A_49] : memref<256xi32, #tpu.memory_space<vmem>> -> memref<8xi32, #tpu.memory_space<vmem>>
    %dma_start3A_51 = arith.constant 0 : i32
    %dma_start3A_52 = arith.constant 0 : i32
    %dma_start3A_53 = tpu.memref_slice %arg3[%dma_start3A_51, %dma_start3A_52] : memref<100000x2048xf32, #tpu.memory_space<hbm>> -> memref<100000x2048xf32, #tpu.memory_space<hbm>>
    tpu.enqueue_indirect_dma source(%dma_start3A_53 : memref<100000x2048xf32, #tpu.memory_space<hbm>>) target(%arg9 : memref<8x2048xf32, #tpu.memory_space<vmem>>) offsets(%dma_start3A_50 : memref<8xi32, #tpu.memory_space<vmem>>) semaphore(%arg16 : memref<!tpu.dma_semaphore, #tpu.memory_space<semaphore_mem>>)
    %dma_start3A_54 = arith.constant 32 : i32
    %dma_start3A_55 = tpu.memref_slice %arg5[%dma_start3A_54] : memref<256xi32, #tpu.memory_space<vmem>> -> memref<8xi32, #tpu.memory_space<vmem>>
    %dma_start3A_56 = arith.constant 0 : i32
    %dma_start3A_57 = arith.constant 0 : i32
    %dma_start3A_58 = tpu.memref_slice %arg3[%dma_start3A_56, %dma_start3A_57] : memref<100000x2048xf32, #tpu.memory_space<hbm>> -> memref<100000x2048xf32, #tpu.memory_space<hbm>>
    tpu.enqueue_indirect_dma source(%dma_start3A_58 : memref<100000x2048xf32, #tpu.memory_space<hbm>>) target(%arg10 : memref<8x2048xf32, #tpu.memory_space<vmem>>) offsets(%dma_start3A_55 : memref<8xi32, #tpu.memory_space<vmem>>) semaphore(%arg17 : memref<!tpu.dma_semaphore, #tpu.memory_space<semaphore_mem>>)
    %dma_start3A_59 = arith.constant 40 : i32
    %dma_start3A_60 = tpu.memref_slice %arg5[%dma_start3A_59] : memref<256xi32, #tpu.memory_space<vmem>> -> memref<8xi32, #tpu.memory_space<vmem>>
    %dma_start3A_61 = arith.constant 0 : i32
    %dma_start3A_62 = arith.constant 0 : i32
    %dma_start3A_63 = tpu.memref_slice %arg3[%dma_start3A_61, %dma_start3A_62] : memref<100000x2048xf32, #tpu.memory_space<hbm>> -> memref<100000x2048xf32, #tpu.memory_space<hbm>>
    tpu.enqueue_indirect_dma source(%dma_start3A_63 : memref<100000x2048xf32, #tpu.memory_space<hbm>>) target(%arg11 : memref<8x2048xf32, #tpu.memory_space<vmem>>) offsets(%dma_start3A_60 : memref<8xi32, #tpu.memory_space<vmem>>) semaphore(%arg18 : memref<!tpu.dma_semaphore, #tpu.memory_space<semaphore_mem>>)
    %dma_start3A_64 = arith.constant 48 : i32
    %dma_start3A_65 = tpu.memref_slice %arg5[%dma_start3A_64] : memref<256xi32, #tpu.memory_space<vmem>> -> memref<8xi32, #tpu.memory_space<vmem>>
    %dma_start3A_66 = arith.constant 0 : i32
    %dma_start3A_67 = arith.constant 0 : i32
    %dma_start3A_68 = tpu.memref_slice %arg3[%dma_start3A_66, %dma_start3A_67] : memref<100000x2048xf32, #tpu.memory_space<hbm>> -> memref<100000x2048xf32, #tpu.memory_space<hbm>>
    tpu.enqueue_indirect_dma source(%dma_start3A_68 : memref<100000x2048xf32, #tpu.memory_space<hbm>>) target(%arg12 : memref<8x2048xf32, #tpu.memory_space<vmem>>) offsets(%dma_start3A_65 : memref<8xi32, #tpu.memory_space<vmem>>) semaphore(%arg19 : memref<!tpu.dma_semaphore, #tpu.memory_space<semaphore_mem>>)
    %dma_wait3A = arith.constant 0 : i32
    %dma_wait3A_69 = tpu.memref_slice %arg5[%dma_wait3A] : memref<256xi32, #tpu.memory_space<vmem>> -> memref<8xi32, #tpu.memory_space<vmem>>
    %dma_wait3A_70 = arith.constant 0 : i32
    %dma_wait3A_71 = arith.constant 0 : i32
    %dma_wait3A_72 = tpu.memref_slice %arg3[%dma_wait3A_70, %dma_wait3A_71] : memref<100000x2048xf32, #tpu.memory_space<hbm>> -> memref<100000x2048xf32, #tpu.memory_space<hbm>>
    tpu.wait_indirect_dma semaphore(%arg13 : memref<!tpu.dma_semaphore, #tpu.memory_space<semaphore_mem>>) src(%dma_wait3A_72 : memref<100000x2048xf32, #tpu.memory_space<hbm>>) dst(%arg6 : memref<8x2048xf32, #tpu.memory_space<vmem>>)
    %add3A_73 = arith.constant 0 : i32
    %add3A_74 = arith.addi %mul3A_2, %add3A_73 : i32
    %dma_start3A_75 = arith.constant 0 : i32
    %dma_start3A_76 = tpu.memref_slice %arg4[%add3A_74, %dma_start3A_75] : memref<8192x2048xf32, #tpu.memory_space<hbm>> -> memref<8x2048xf32, #tpu.memory_space<hbm>>
    %dma_start3A_77 = arith.constant 0 : i32
    %dma_start3A_78 = tpu.memref_slice %arg4[%add3A_74, %dma_start3A_77] : memref<8192x2048xf32, #tpu.memory_space<hbm>> -> memref<8x2048xf32, #tpu.memory_space<hbm>>
    tpu.enqueue_dma source(%arg6 : memref<8x2048xf32, #tpu.memory_space<vmem>>) target(%dma_start3A_78 : memref<8x2048xf32, #tpu.memory_space<hbm>>) target_semaphore(%arg20 : memref<!tpu.dma_semaphore, #tpu.memory_space<semaphore_mem>>)
    %dma_wait3A_79 = arith.constant 8 : i32
    %dma_wait3A_80 = tpu.memref_slice %arg5[%dma_wait3A_79] : memref<256xi32, #tpu.memory_space<vmem>> -> memref<8xi32, #tpu.memory_space<vmem>>
    %dma_wait3A_81 = arith.constant 0 : i32
    %dma_wait3A_82 = arith.constant 0 : i32
    %dma_wait3A_83 = tpu.memref_slice %arg3[%dma_wait3A_81, %dma_wait3A_82] : memref<100000x2048xf32, #tpu.memory_space<hbm>> -> memref<100000x2048xf32, #tpu.memory_space<hbm>>
    tpu.wait_indirect_dma semaphore(%arg14 : memref<!tpu.dma_semaphore, #tpu.memory_space<semaphore_mem>>) src(%dma_wait3A_83 : memref<100000x2048xf32, #tpu.memory_space<hbm>>) dst(%arg7 : memref<8x2048xf32, #tpu.memory_space<vmem>>)
    %add3A_84 = arith.constant 8 : i32
    %add3A_85 = arith.addi %mul3A_2, %add3A_84 : i32
    %dma_start3A_86 = arith.constant 0 : i32
    %dma_start3A_87 = tpu.memref_slice %arg4[%add3A_85, %dma_start3A_86] : memref<8192x2048xf32, #tpu.memory_space<hbm>> -> memref<8x2048xf32, #tpu.memory_space<hbm>>
    %dma_start3A_88 = arith.constant 0 : i32
    %dma_start3A_89 = tpu.memref_slice %arg4[%add3A_85, %dma_start3A_88] : memref<8192x2048xf32, #tpu.memory_space<hbm>> -> memref<8x2048xf32, #tpu.memory_space<hbm>>
    tpu.enqueue_dma source(%arg7 : memref<8x2048xf32, #tpu.memory_space<vmem>>) target(%dma_start3A_89 : memref<8x2048xf32, #tpu.memory_space<hbm>>) target_semaphore(%arg21 : memref<!tpu.dma_semaphore, #tpu.memory_space<semaphore_mem>>)
    %dma_wait3A_90 = arith.constant 16 : i32
    %dma_wait3A_91 = tpu.memref_slice %arg5[%dma_wait3A_90] : memref<256xi32, #tpu.memory_space<vmem>> -> memref<8xi32, #tpu.memory_space<vmem>>
    %dma_wait3A_92 = arith.constant 0 : i32
    %dma_wait3A_93 = arith.constant 0 : i32
    %dma_wait3A_94 = tpu.memref_slice %arg3[%dma_wait3A_92, %dma_wait3A_93] : memref<100000x2048xf32, #tpu.memory_space<hbm>> -> memref<100000x2048xf32, #tpu.memory_space<hbm>>
    tpu.wait_indirect_dma semaphore(%arg15 : memref<!tpu.dma_semaphore, #tpu.memory_space<semaphore_mem>>) src(%dma_wait3A_94 : memref<100000x2048xf32, #tpu.memory_space<hbm>>) dst(%arg8 : memref<8x2048xf32, #tpu.memory_space<vmem>>)
    %add3A_95 = arith.constant 16 : i32
    %add3A_96 = arith.addi %mul3A_2, %add3A_95 : i32
    %dma_start3A_97 = arith.constant 0 : i32
    %dma_start3A_98 = tpu.memref_slice %arg4[%add3A_96, %dma_start3A_97] : memref<8192x2048xf32, #tpu.memory_space<hbm>> -> memref<8x2048xf32, #tpu.memory_space<hbm>>
    %dma_start3A_99 = arith.constant 0 : i32
    %dma_start3A_100 = tpu.memref_slice %arg4[%add3A_96, %dma_start3A_99] : memref<8192x2048xf32, #tpu.memory_space<hbm>> -> memref<8x2048xf32, #tpu.memory_space<hbm>>
    tpu.enqueue_dma source(%arg8 : memref<8x2048xf32, #tpu.memory_space<vmem>>) target(%dma_start3A_100 : memref<8x2048xf32, #tpu.memory_space<hbm>>) target_semaphore(%arg22 : memref<!tpu.dma_semaphore, #tpu.memory_space<semaphore_mem>>)
    %dma_wait3A_101 = arith.constant 0 : i32
    %dma_wait3A_102 = tpu.memref_slice %arg4[%add3A_74, %dma_wait3A_101] : memref<8192x2048xf32, #tpu.memory_space<hbm>> -> memref<8x2048xf32, #tpu.memory_space<hbm>>
    %dma_wait3A_103 = arith.constant 0 : i32
    %dma_wait3A_104 = tpu.memref_slice %arg4[%add3A_74, %dma_wait3A_103] : memref<8192x2048xf32, #tpu.memory_space<hbm>> -> memref<8x2048xf32, #tpu.memory_space<hbm>>
    tpu.wait_dma2 semaphore(%arg20 : memref<!tpu.dma_semaphore, #tpu.memory_space<semaphore_mem>>) src(%arg6 : memref<8x2048xf32, #tpu.memory_space<vmem>>) dst(%dma_wait3A_104 : memref<8x2048xf32, #tpu.memory_space<hbm>>)
    %dma_start3A_105 = arith.constant 56 : i32
    %dma_start3A_106 = tpu.memref_slice %arg5[%dma_start3A_105] : memref<256xi32, #tpu.memory_space<vmem>> -> memref<8xi32, #tpu.memory_space<vmem>>
    %dma_start3A_107 = arith.constant 0 : i32
    %dma_start3A_108 = arith.constant 0 : i32
    %dma_start3A_109 = tpu.memref_slice %arg3[%dma_start3A_107, %dma_start3A_108] : memref<100000x2048xf32, #tpu.memory_space<hbm>> -> memref<100000x2048xf32, #tpu.memory_space<hbm>>
    tpu.enqueue_indirect_dma source(%dma_start3A_109 : memref<100000x2048xf32, #tpu.memory_space<hbm>>) target(%arg6 : memref<8x2048xf32, #tpu.memory_space<vmem>>) offsets(%dma_start3A_106 : memref<8xi32, #tpu.memory_space<vmem>>) semaphore(%arg13 : memref<!tpu.dma_semaphore, #tpu.memory_space<semaphore_mem>>)
    %dma_wait3A_110 = arith.constant 24 : i32
    %dma_wait3A_111 = tpu.memref_slice %arg5[%dma_wait3A_110] : memref<256xi32, #tpu.memory_space<vmem>> -> memref<8xi32, #tpu.memory_space<vmem>>
    %dma_wait3A_112 = arith.constant 0 : i32
    %dma_wait3A_113 = arith.constant 0 : i32
    %dma_wait3A_114 = tpu.memref_slice %arg3[%dma_wait3A_112, %dma_wait3A_113] : memref<100000x2048xf32, #tpu.memory_space<hbm>> -> memref<100000x2048xf32, #tpu.memory_space<hbm>>
    tpu.wait_indirect_dma semaphore(%arg16 : memref<!tpu.dma_semaphore, #tpu.memory_space<semaphore_mem>>) src(%dma_wait3A_114 : memref<100000x2048xf32, #tpu.memory_space<hbm>>) dst(%arg9 : memref<8x2048xf32, #tpu.memory_space<vmem>>)
    %add3A_115 = arith.constant 24 : i32
    %add3A_116 = arith.addi %mul3A_2, %add3A_115 : i32
    %dma_start3A_117 = arith.constant 0 : i32
    %dma_start3A_118 = tpu.memref_slice %arg4[%add3A_116, %dma_start3A_117] : memref<8192x2048xf32, #tpu.memory_space<hbm>> -> memref<8x2048xf32, #tpu.memory_space<hbm>>
    %dma_start3A_119 = arith.constant 0 : i32
    %dma_start3A_120 = tpu.memref_slice %arg4[%add3A_116, %dma_start3A_119] : memref<8192x2048xf32, #tpu.memory_space<hbm>> -> memref<8x2048xf32, #tpu.memory_space<hbm>>
    tpu.enqueue_dma source(%arg9 : memref<8x2048xf32, #tpu.memory_space<vmem>>) target(%dma_start3A_120 : memref<8x2048xf32, #tpu.memory_space<hbm>>) target_semaphore(%arg23 : memref<!tpu.dma_semaphore, #tpu.memory_space<semaphore_mem>>)
    %dma_wait3A_121 = arith.constant 0 : i32
    %dma_wait3A_122 = tpu.memref_slice %arg4[%add3A_85, %dma_wait3A_121] : memref<8192x2048xf32, #tpu.memory_space<hbm>> -> memref<8x2048xf32, #tpu.memory_space<hbm>>
    %dma_wait3A_123 = arith.constant 0 : i32
    %dma_wait3A_124 = tpu.memref_slice %arg4[%add3A_85, %dma_wait3A_123] : memref<8192x2048xf32, #tpu.memory_space<hbm>> -> memref<8x2048xf32, #tpu.memory_space<hbm>>
    tpu.wait_dma2 semaphore(%arg21 : memref<!tpu.dma_semaphore, #tpu.memory_space<semaphore_mem>>) src(%arg7 : memref<8x2048xf32, #tpu.memory_space<vmem>>) dst(%dma_wait3A_124 : memref<8x2048xf32, #tpu.memory_space<hbm>>)
    %dma_start3A_125 = arith.constant 64 : i32
    %dma_start3A_126 = tpu.memref_slice %arg5[%dma_start3A_125] : memref<256xi32, #tpu.memory_space<vmem>> -> memref<8xi32, #tpu.memory_space<vmem>>
    %dma_start3A_127 = arith.constant 0 : i32
    %dma_start3A_128 = arith.constant 0 : i32
    %dma_start3A_129 = tpu.memref_slice %arg3[%dma_start3A_127, %dma_start3A_128] : memref<100000x2048xf32, #tpu.memory_space<hbm>> -> memref<100000x2048xf32, #tpu.memory_space<hbm>>
    tpu.enqueue_indirect_dma source(%dma_start3A_129 : memref<100000x2048xf32, #tpu.memory_space<hbm>>) target(%arg7 : memref<8x2048xf32, #tpu.memory_space<vmem>>) offsets(%dma_start3A_126 : memref<8xi32, #tpu.memory_space<vmem>>) semaphore(%arg14 : memref<!tpu.dma_semaphore, #tpu.memory_space<semaphore_mem>>)
    %dma_wait3A_130 = arith.constant 32 : i32
    %dma_wait3A_131 = tpu.memref_slice %arg5[%dma_wait3A_130] : memref<256xi32, #tpu.memory_space<vmem>> -> memref<8xi32, #tpu.memory_space<vmem>>
    %dma_wait3A_132 = arith.constant 0 : i32
    %dma_wait3A_133 = arith.constant 0 : i32
    %dma_wait3A_134 = tpu.memref_slice %arg3[%dma_wait3A_132, %dma_wait3A_133] : memref<100000x2048xf32, #tpu.memory_space<hbm>> -> memref<100000x2048xf32, #tpu.memory_space<hbm>>
    tpu.wait_indirect_dma semaphore(%arg17 : memref<!tpu.dma_semaphore, #tpu.memory_space<semaphore_mem>>) src(%dma_wait3A_134 : memref<100000x2048xf32, #tpu.memory_space<hbm>>) dst(%arg10 : memref<8x2048xf32, #tpu.memory_space<vmem>>)
    %add3A_135 = arith.constant 32 : i32
    %add3A_136 = arith.addi %mul3A_2, %add3A_135 : i32
    %dma_start3A_137 = arith.constant 0 : i32
    %dma_start3A_138 = tpu.memref_slice %arg4[%add3A_136, %dma_start3A_137] : memref<8192x2048xf32, #tpu.memory_space<hbm>> -> memref<8x2048xf32, #tpu.memory_space<hbm>>
    %dma_start3A_139 = arith.constant 0 : i32
    %dma_start3A_140 = tpu.memref_slice %arg4[%add3A_136, %dma_start3A_139] : memref<8192x2048xf32, #tpu.memory_space<hbm>> -> memref<8x2048xf32, #tpu.memory_space<hbm>>
    tpu.enqueue_dma source(%arg10 : memref<8x2048xf32, #tpu.memory_space<vmem>>) target(%dma_start3A_140 : memref<8x2048xf32, #tpu.memory_space<hbm>>) target_semaphore(%arg24 : memref<!tpu.dma_semaphore, #tpu.memory_space<semaphore_mem>>)
    %dma_wait3A_141 = arith.constant 0 : i32
    %dma_wait3A_142 = tpu.memref_slice %arg4[%add3A_96, %dma_wait3A_141] : memref<8192x2048xf32, #tpu.memory_space<hbm>> -> memref<8x2048xf32, #tpu.memory_space<hbm>>
    %dma_wait3A_143 = arith.constant 0 : i32
    %dma_wait3A_144 = tpu.memref_slice %arg4[%add3A_96, %dma_wait3A_143] : memref<8192x2048xf32, #tpu.memory_space<hbm>> -> memref<8x2048xf32, #tpu.memory_space<hbm>>
    tpu.wait_dma2 semaphore(%arg22 : memref<!tpu.dma_semaphore, #tpu.memory_space<semaphore_mem>>) src(%arg8 : memref<8x2048xf32, #tpu.memory_space<vmem>>) dst(%dma_wait3A_144 : memref<8x2048xf32, #tpu.memory_space<hbm>>)
    %dma_start3A_145 = arith.constant 72 : i32
    %dma_start3A_146 = tpu.memref_slice %arg5[%dma_start3A_145] : memref<256xi32, #tpu.memory_space<vmem>> -> memref<8xi32, #tpu.memory_space<vmem>>
    %dma_start3A_147 = arith.constant 0 : i32
    %dma_start3A_148 = arith.constant 0 : i32
    %dma_start3A_149 = tpu.memref_slice %arg3[%dma_start3A_147, %dma_start3A_148] : memref<100000x2048xf32, #tpu.memory_space<hbm>> -> memref<100000x2048xf32, #tpu.memory_space<hbm>>
    tpu.enqueue_indirect_dma source(%dma_start3A_149 : memref<100000x2048xf32, #tpu.memory_space<hbm>>) target(%arg8 : memref<8x2048xf32, #tpu.memory_space<vmem>>) offsets(%dma_start3A_146 : memref<8xi32, #tpu.memory_space<vmem>>) semaphore(%arg15 : memref<!tpu.dma_semaphore, #tpu.memory_space<semaphore_mem>>)
    %dma_wait3A_150 = arith.constant 40 : i32
    %dma_wait3A_151 = tpu.memref_slice %arg5[%dma_wait3A_150] : memref<256xi32, #tpu.memory_space<vmem>> -> memref<8xi32, #tpu.memory_space<vmem>>
    %dma_wait3A_152 = arith.constant 0 : i32
    %dma_wait3A_153 = arith.constant 0 : i32
    %dma_wait3A_154 = tpu.memref_slice %arg3[%dma_wait3A_152, %dma_wait3A_153] : memref<100000x2048xf32, #tpu.memory_space<hbm>> -> memref<100000x2048xf32, #tpu.memory_space<hbm>>
    tpu.wait_indirect_dma semaphore(%arg18 : memref<!tpu.dma_semaphore, #tpu.memory_space<semaphore_mem>>) src(%dma_wait3A_154 : memref<100000x2048xf32, #tpu.memory_space<hbm>>) dst(%arg11 : memref<8x2048xf32, #tpu.memory_space<vmem>>)
    %add3A_155 = arith.constant 40 : i32
    %add3A_156 = arith.addi %mul3A_2, %add3A_155 : i32
    %dma_start3A_157 = arith.constant 0 : i32
    %dma_start3A_158 = tpu.memref_slice %arg4[%add3A_156, %dma_start3A_157] : memref<8192x2048xf32, #tpu.memory_space<hbm>> -> memref<8x2048xf32, #tpu.memory_space<hbm>>
    %dma_start3A_159 = arith.constant 0 : i32
    %dma_start3A_160 = tpu.memref_slice %arg4[%add3A_156, %dma_start3A_159] : memref<8192x2048xf32, #tpu.memory_space<hbm>> -> memref<8x2048xf32, #tpu.memory_space<hbm>>
    tpu.enqueue_dma source(%arg11 : memref<8x2048xf32, #tpu.memory_space<vmem>>) target(%dma_start3A_160 : memref<8x2048xf32, #tpu.memory_space<hbm>>) target_semaphore(%arg25 : memref<!tpu.dma_semaphore, #tpu.memory_space<semaphore_mem>>)
    %dma_wait3A_161 = arith.constant 0 : i32
    %dma_wait3A_162 = tpu.memref_slice %arg4[%add3A_116, %dma_wait3A_161] : memref<8192x2048xf32, #tpu.memory_space<hbm>> -> memref<8x2048xf32, #tpu.memory_space<hbm>>
    %dma_wait3A_163 = arith.constant 0 : i32
    %dma_wait3A_164 = tpu.memref_slice %arg4[%add3A_116, %dma_wait3A_163] : memref<8192x2048xf32, #tpu.memory_space<hbm>> -> memref<8x2048xf32, #tpu.memory_space<hbm>>
    tpu.wait_dma2 semaphore(%arg23 : memref<!tpu.dma_semaphore, #tpu.memory_space<semaphore_mem>>) src(%arg9 : memref<8x2048xf32, #tpu.memory_space<vmem>>) dst(%dma_wait3A_164 : memref<8x2048xf32, #tpu.memory_space<hbm>>)
    %dma_start3A_165 = arith.constant 80 : i32
    %dma_start3A_166 = tpu.memref_slice %arg5[%dma_start3A_165] : memref<256xi32, #tpu.memory_space<vmem>> -> memref<8xi32, #tpu.memory_space<vmem>>
    %dma_start3A_167 = arith.constant 0 : i32
    %dma_start3A_168 = arith.constant 0 : i32
    %dma_start3A_169 = tpu.memref_slice %arg3[%dma_start3A_167, %dma_start3A_168] : memref<100000x2048xf32, #tpu.memory_space<hbm>> -> memref<100000x2048xf32, #tpu.memory_space<hbm>>
    tpu.enqueue_indirect_dma source(%dma_start3A_169 : memref<100000x2048xf32, #tpu.memory_space<hbm>>) target(%arg9 : memref<8x2048xf32, #tpu.memory_space<vmem>>) offsets(%dma_start3A_166 : memref<8xi32, #tpu.memory_space<vmem>>) semaphore(%arg16 : memref<!tpu.dma_semaphore, #tpu.memory_space<semaphore_mem>>)
    %dma_wait3A_170 = arith.constant 48 : i32
    %dma_wait3A_171 = tpu.memref_slice %arg5[%dma_wait3A_170] : memref<256xi32, #tpu.memory_space<vmem>> -> memref<8xi32, #tpu.memory_space<vmem>>
    %dma_wait3A_172 = arith.constant 0 : i32
    %dma_wait3A_173 = arith.constant 0 : i32
    %dma_wait3A_174 = tpu.memref_slice %arg3[%dma_wait3A_172, %dma_wait3A_173] : memref<100000x2048xf32, #tpu.memory_space<hbm>> -> memref<100000x2048xf32, #tpu.memory_space<hbm>>
    tpu.wait_indirect_dma semaphore(%arg19 : memref<!tpu.dma_semaphore, #tpu.memory_space<semaphore_mem>>) src(%dma_wait3A_174 : memref<100000x2048xf32, #tpu.memory_space<hbm>>) dst(%arg12 : memref<8x2048xf32, #tpu.memory_space<vmem>>)
    %add3A_175 = arith.constant 48 : i32
    %add3A_176 = arith.addi %mul3A_2, %add3A_175 : i32
    %dma_start3A_177 = arith.constant 0 : i32
    %dma_start3A_178 = tpu.memref_slice %arg4[%add3A_176, %dma_start3A_177] : memref<8192x2048xf32, #tpu.memory_space<hbm>> -> memref<8x2048xf32, #tpu.memory_space<hbm>>
    %dma_start3A_179 = arith.constant 0 : i32
    %dma_start3A_180 = tpu.memref_slice %arg4[%add3A_176, %dma_start3A_179] : memref<8192x2048xf32, #tpu.memory_space<hbm>> -> memref<8x2048xf32, #tpu.memory_space<hbm>>
    tpu.enqueue_dma source(%arg12 : memref<8x2048xf32, #tpu.memory_space<vmem>>) target(%dma_start3A_180 : memref<8x2048xf32, #tpu.memory_space<hbm>>) target_semaphore(%arg26 : memref<!tpu.dma_semaphore, #tpu.memory_space<semaphore_mem>>)
    %dma_wait3A_181 = arith.constant 0 : i32
    %dma_wait3A_182 = tpu.memref_slice %arg4[%add3A_136, %dma_wait3A_181] : memref<8192x2048xf32, #tpu.memory_space<hbm>> -> memref<8x2048xf32, #tpu.memory_space<hbm>>
    %dma_wait3A_183 = arith.constant 0 : i32
    %dma_wait3A_184 = tpu.memref_slice %arg4[%add3A_136, %dma_wait3A_183] : memref<8192x2048xf32, #tpu.memory_space<hbm>> -> memref<8x2048xf32, #tpu.memory_space<hbm>>
    tpu.wait_dma2 semaphore(%arg24 : memref<!tpu.dma_semaphore, #tpu.memory_space<semaphore_mem>>) src(%arg10 : memref<8x2048xf32, #tpu.memory_space<vmem>>) dst(%dma_wait3A_184 : memref<8x2048xf32, #tpu.memory_space<hbm>>)
    %dma_start3A_185 = arith.constant 88 : i32
    %dma_start3A_186 = tpu.memref_slice %arg5[%dma_start3A_185] : memref<256xi32, #tpu.memory_space<vmem>> -> memref<8xi32, #tpu.memory_space<vmem>>
    %dma_start3A_187 = arith.constant 0 : i32
    %dma_start3A_188 = arith.constant 0 : i32
    %dma_start3A_189 = tpu.memref_slice %arg3[%dma_start3A_187, %dma_start3A_188] : memref<100000x2048xf32, #tpu.memory_space<hbm>> -> memref<100000x2048xf32, #tpu.memory_space<hbm>>
    tpu.enqueue_indirect_dma source(%dma_start3A_189 : memref<100000x2048xf32, #tpu.memory_space<hbm>>) target(%arg10 : memref<8x2048xf32, #tpu.memory_space<vmem>>) offsets(%dma_start3A_186 : memref<8xi32, #tpu.memory_space<vmem>>) semaphore(%arg17 : memref<!tpu.dma_semaphore, #tpu.memory_space<semaphore_mem>>)
    %dma_wait3A_190 = arith.constant 56 : i32
    %dma_wait3A_191 = tpu.memref_slice %arg5[%dma_wait3A_190] : memref<256xi32, #tpu.memory_space<vmem>> -> memref<8xi32, #tpu.memory_space<vmem>>
    %dma_wait3A_192 = arith.constant 0 : i32
    %dma_wait3A_193 = arith.constant 0 : i32
    %dma_wait3A_194 = tpu.memref_slice %arg3[%dma_wait3A_192, %dma_wait3A_193] : memref<100000x2048xf32, #tpu.memory_space<hbm>> -> memref<100000x2048xf32, #tpu.memory_space<hbm>>
    tpu.wait_indirect_dma semaphore(%arg13 : memref<!tpu.dma_semaphore, #tpu.memory_space<semaphore_mem>>) src(%dma_wait3A_194 : memref<100000x2048xf32, #tpu.memory_space<hbm>>) dst(%arg6 : memref<8x2048xf32, #tpu.memory_space<vmem>>)
    %add3A_195 = arith.constant 56 : i32
    %add3A_196 = arith.addi %mul3A_2, %add3A_195 : i32
    %dma_start3A_197 = arith.constant 0 : i32
    %dma_start3A_198 = tpu.memref_slice %arg4[%add3A_196, %dma_start3A_197] : memref<8192x2048xf32, #tpu.memory_space<hbm>> -> memref<8x2048xf32, #tpu.memory_space<hbm>>
    %dma_start3A_199 = arith.constant 0 : i32
    %dma_start3A_200 = tpu.memref_slice %arg4[%add3A_196, %dma_start3A_199] : memref<8192x2048xf32, #tpu.memory_space<hbm>> -> memref<8x2048xf32, #tpu.memory_space<hbm>>
    tpu.enqueue_dma source(%arg6 : memref<8x2048xf32, #tpu.memory_space<vmem>>) target(%dma_start3A_200 : memref<8x2048xf32, #tpu.memory_space<hbm>>) target_semaphore(%arg20 : memref<!tpu.dma_semaphore, #tpu.memory_space<semaphore_mem>>)
    %dma_wait3A_201 = arith.constant 0 : i32
    %dma_wait3A_202 = tpu.memref_slice %arg4[%add3A_156, %dma_wait3A_201] : memref<8192x2048xf32, #tpu.memory_space<hbm>> -> memref<8x2048xf32, #tpu.memory_space<hbm>>
    %dma_wait3A_203 = arith.constant 0 : i32
    %dma_wait3A_204 = tpu.memref_slice %arg4[%add3A_156, %dma_wait3A_203] : memref<8192x2048xf32, #tpu.memory_space<hbm>> -> memref<8x2048xf32, #tpu.memory_space<hbm>>
    tpu.wait_dma2 semaphore(%arg25 : memref<!tpu.dma_semaphore, #tpu.memory_space<semaphore_mem>>) src(%arg11 : memref<8x2048xf32, #tpu.memory_space<vmem>>) dst(%dma_wait3A_204 : memref<8x2048xf32, #tpu.memory_space<hbm>>)
    %dma_start3A_205 = arith.constant 96 : i32
    %dma_start3A_206 = tpu.memref_slice %arg5[%dma_start3A_205] : memref<256xi32, #tpu.memory_space<vmem>> -> memref<8xi32, #tpu.memory_space<vmem>>
    %dma_start3A_207 = arith.constant 0 : i32
    %dma_start3A_208 = arith.constant 0 : i32
    %dma_start3A_209 = tpu.memref_slice %arg3[%dma_start3A_207, %dma_start3A_208] : memref<100000x2048xf32, #tpu.memory_space<hbm>> -> memref<100000x2048xf32, #tpu.memory_space<hbm>>
    tpu.enqueue_indirect_dma source(%dma_start3A_209 : memref<100000x2048xf32, #tpu.memory_space<hbm>>) target(%arg11 : memref<8x2048xf32, #tpu.memory_space<vmem>>) offsets(%dma_start3A_206 : memref<8xi32, #tpu.memory_space<vmem>>) semaphore(%arg18 : memref<!tpu.dma_semaphore, #tpu.memory_space<semaphore_mem>>)
    %dma_wait3A_210 = arith.constant 64 : i32
    %dma_wait3A_211 = tpu.memref_slice %arg5[%dma_wait3A_210] : memref<256xi32, #tpu.memory_space<vmem>> -> memref<8xi32, #tpu.memory_space<vmem>>
    %dma_wait3A_212 = arith.constant 0 : i32
    %dma_wait3A_213 = arith.constant 0 : i32
    %dma_wait3A_214 = tpu.memref_slice %arg3[%dma_wait3A_212, %dma_wait3A_213] : memref<100000x2048xf32, #tpu.memory_space<hbm>> -> memref<100000x2048xf32, #tpu.memory_space<hbm>>
    tpu.wait_indirect_dma semaphore(%arg14 : memref<!tpu.dma_semaphore, #tpu.memory_space<semaphore_mem>>) src(%dma_wait3A_214 : memref<100000x2048xf32, #tpu.memory_space<hbm>>) dst(%arg7 : memref<8x2048xf32, #tpu.memory_space<vmem>>)
    %add3A_215 = arith.constant 64 : i32
    %add3A_216 = arith.addi %mul3A_2, %add3A_215 : i32
    %dma_start3A_217 = arith.constant 0 : i32
    %dma_start3A_218 = tpu.memref_slice %arg4[%add3A_216, %dma_start3A_217] : memref<8192x2048xf32, #tpu.memory_space<hbm>> -> memref<8x2048xf32, #tpu.memory_space<hbm>>
    %dma_start3A_219 = arith.constant 0 : i32
    %dma_start3A_220 = tpu.memref_slice %arg4[%add3A_216, %dma_start3A_219] : memref<8192x2048xf32, #tpu.memory_space<hbm>> -> memref<8x2048xf32, #tpu.memory_space<hbm>>
    tpu.enqueue_dma source(%arg7 : memref<8x2048xf32, #tpu.memory_space<vmem>>) target(%dma_start3A_220 : memref<8x2048xf32, #tpu.memory_space<hbm>>) target_semaphore(%arg21 : memref<!tpu.dma_semaphore, #tpu.memory_space<semaphore_mem>>)
    %dma_wait3A_221 = arith.constant 0 : i32
    %dma_wait3A_222 = tpu.memref_slice %arg4[%add3A_176, %dma_wait3A_221] : memref<8192x2048xf32, #tpu.memory_space<hbm>> -> memref<8x2048xf32, #tpu.memory_space<hbm>>
    %dma_wait3A_223 = arith.constant 0 : i32
    %dma_wait3A_224 = tpu.memref_slice %arg4[%add3A_176, %dma_wait3A_223] : memref<8192x2048xf32, #tpu.memory_space<hbm>> -> memref<8x2048xf32, #tpu.memory_space<hbm>>
    tpu.wait_dma2 semaphore(%arg26 : memref<!tpu.dma_semaphore, #tpu.memory_space<semaphore_mem>>) src(%arg12 : memref<8x2048xf32, #tpu.memory_space<vmem>>) dst(%dma_wait3A_224 : memref<8x2048xf32, #tpu.memory_space<hbm>>)
    %dma_start3A_225 = arith.constant 104 : i32
    %dma_start3A_226 = tpu.memref_slice %arg5[%dma_start3A_225] : memref<256xi32, #tpu.memory_space<vmem>> -> memref<8xi32, #tpu.memory_space<vmem>>
    %dma_start3A_227 = arith.constant 0 : i32
    %dma_start3A_228 = arith.constant 0 : i32
    %dma_start3A_229 = tpu.memref_slice %arg3[%dma_start3A_227, %dma_start3A_228] : memref<100000x2048xf32, #tpu.memory_space<hbm>> -> memref<100000x2048xf32, #tpu.memory_space<hbm>>
    tpu.enqueue_indirect_dma source(%dma_start3A_229 : memref<100000x2048xf32, #tpu.memory_space<hbm>>) target(%arg12 : memref<8x2048xf32, #tpu.memory_space<vmem>>) offsets(%dma_start3A_226 : memref<8xi32, #tpu.memory_space<vmem>>) semaphore(%arg19 : memref<!tpu.dma_semaphore, #tpu.memory_space<semaphore_mem>>)
    %dma_wait3A_230 = arith.constant 72 : i32
    %dma_wait3A_231 = tpu.memref_slice %arg5[%dma_wait3A_230] : memref<256xi32, #tpu.memory_space<vmem>> -> memref<8xi32, #tpu.memory_space<vmem>>
    %dma_wait3A_232 = arith.constant 0 : i32
    %dma_wait3A_233 = arith.constant 0 : i32
    %dma_wait3A_234 = tpu.memref_slice %arg3[%dma_wait3A_232, %dma_wait3A_233] : memref<100000x2048xf32, #tpu.memory_space<hbm>> -> memref<100000x2048xf32, #tpu.memory_space<hbm>>
    tpu.wait_indirect_dma semaphore(%arg15 : memref<!tpu.dma_semaphore, #tpu.memory_space<semaphore_mem>>) src(%dma_wait3A_234 : memref<100000x2048xf32, #tpu.memory_space<hbm>>) dst(%arg8 : memref<8x2048xf32, #tpu.memory_space<vmem>>)
    %add3A_235 = arith.constant 72 : i32
    %add3A_236 = arith.addi %mul3A_2, %add3A_235 : i32
    %dma_start3A_237 = arith.constant 0 : i32
    %dma_start3A_238 = tpu.memref_slice %arg4[%add3A_236, %dma_start3A_237] : memref<8192x2048xf32, #tpu.memory_space<hbm>> -> memref<8x2048xf32, #tpu.memory_space<hbm>>
    %dma_start3A_239 = arith.constant 0 : i32
    %dma_start3A_240 = tpu.memref_slice %arg4[%add3A_236, %dma_start3A_239] : memref<8192x2048xf32, #tpu.memory_space<hbm>> -> memref<8x2048xf32, #tpu.memory_space<hbm>>
    tpu.enqueue_dma source(%arg8 : memref<8x2048xf32, #tpu.memory_space<vmem>>) target(%dma_start3A_240 : memref<8x2048xf32, #tpu.memory_space<hbm>>) target_semaphore(%arg22 : memref<!tpu.dma_semaphore, #tpu.memory_space<semaphore_mem>>)
    %dma_wait3A_241 = arith.constant 0 : i32
    %dma_wait3A_242 = tpu.memref_slice %arg4[%add3A_196, %dma_wait3A_241] : memref<8192x2048xf32, #tpu.memory_space<hbm>> -> memref<8x2048xf32, #tpu.memory_space<hbm>>
    %dma_wait3A_243 = arith.constant 0 : i32
    %dma_wait3A_244 = tpu.memref_slice %arg4[%add3A_196, %dma_wait3A_243] : memref<8192x2048xf32, #tpu.memory_space<hbm>> -> memref<8x2048xf32, #tpu.memory_space<hbm>>
    tpu.wait_dma2 semaphore(%arg20 : memref<!tpu.dma_semaphore, #tpu.memory_space<semaphore_mem>>) src(%arg6 : memref<8x2048xf32, #tpu.memory_space<vmem>>) dst(%dma_wait3A_244 : memref<8x2048xf32, #tpu.memory_space<hbm>>)
    %dma_start3A_245 = arith.constant 112 : i32
    %dma_start3A_246 = tpu.memref_slice %arg5[%dma_start3A_245] : memref<256xi32, #tpu.memory_space<vmem>> -> memref<8xi32, #tpu.memory_space<vmem>>
    %dma_start3A_247 = arith.constant 0 : i32
    %dma_start3A_248 = arith.constant 0 : i32
    %dma_start3A_249 = tpu.memref_slice %arg3[%dma_start3A_247, %dma_start3A_248] : memref<100000x2048xf32, #tpu.memory_space<hbm>> -> memref<100000x2048xf32, #tpu.memory_space<hbm>>
    tpu.enqueue_indirect_dma source(%dma_start3A_249 : memref<100000x2048xf32, #tpu.memory_space<hbm>>) target(%arg6 : memref<8x2048xf32, #tpu.memory_space<vmem>>) offsets(%dma_start3A_246 : memref<8xi32, #tpu.memory_space<vmem>>) semaphore(%arg13 : memref<!tpu.dma_semaphore, #tpu.memory_space<semaphore_mem>>)
    %dma_wait3A_250 = arith.constant 80 : i32
    %dma_wait3A_251 = tpu.memref_slice %arg5[%dma_wait3A_250] : memref<256xi32, #tpu.memory_space<vmem>> -> memref<8xi32, #tpu.memory_space<vmem>>
    %dma_wait3A_252 = arith.constant 0 : i32
    %dma_wait3A_253 = arith.constant 0 : i32
    %dma_wait3A_254 = tpu.memref_slice %arg3[%dma_wait3A_252, %dma_wait3A_253] : memref<100000x2048xf32, #tpu.memory_space<hbm>> -> memref<100000x2048xf32, #tpu.memory_space<hbm>>
    tpu.wait_indirect_dma semaphore(%arg16 : memref<!tpu.dma_semaphore, #tpu.memory_space<semaphore_mem>>) src(%dma_wait3A_254 : memref<100000x2048xf32, #tpu.memory_space<hbm>>) dst(%arg9 : memref<8x2048xf32, #tpu.memory_space<vmem>>)
    %add3A_255 = arith.constant 80 : i32
    %add3A_256 = arith.addi %mul3A_2, %add3A_255 : i32
    %dma_start3A_257 = arith.constant 0 : i32
    %dma_start3A_258 = tpu.memref_slice %arg4[%add3A_256, %dma_start3A_257] : memref<8192x2048xf32, #tpu.memory_space<hbm>> -> memref<8x2048xf32, #tpu.memory_space<hbm>>
    %dma_start3A_259 = arith.constant 0 : i32
    %dma_start3A_260 = tpu.memref_slice %arg4[%add3A_256, %dma_start3A_259] : memref<8192x2048xf32, #tpu.memory_space<hbm>> -> memref<8x2048xf32, #tpu.memory_space<hbm>>
    tpu.enqueue_dma source(%arg9 : memref<8x2048xf32, #tpu.memory_space<vmem>>) target(%dma_start3A_260 : memref<8x2048xf32, #tpu.memory_space<hbm>>) target_semaphore(%arg23 : memref<!tpu.dma_semaphore, #tpu.memory_space<semaphore_mem>>)
    %dma_wait3A_261 = arith.constant 0 : i32
    %dma_wait3A_262 = tpu.memref_slice %arg4[%add3A_216, %dma_wait3A_261] : memref<8192x2048xf32, #tpu.memory_space<hbm>> -> memref<8x2048xf32, #tpu.memory_space<hbm>>
    %dma_wait3A_263 = arith.constant 0 : i32
    %dma_wait3A_264 = tpu.memref_slice %arg4[%add3A_216, %dma_wait3A_263] : memref<8192x2048xf32, #tpu.memory_space<hbm>> -> memref<8x2048xf32, #tpu.memory_space<hbm>>
    tpu.wait_dma2 semaphore(%arg21 : memref<!tpu.dma_semaphore, #tpu.memory_space<semaphore_mem>>) src(%arg7 : memref<8x2048xf32, #tpu.memory_space<vmem>>) dst(%dma_wait3A_264 : memref<8x2048xf32, #tpu.memory_space<hbm>>)
    %dma_start3A_265 = arith.constant 120 : i32
    %dma_start3A_266 = tpu.memref_slice %arg5[%dma_start3A_265] : memref<256xi32, #tpu.memory_space<vmem>> -> memref<8xi32, #tpu.memory_space<vmem>>
    %dma_start3A_267 = arith.constant 0 : i32
    %dma_start3A_268 = arith.constant 0 : i32
    %dma_start3A_269 = tpu.memref_slice %arg3[%dma_start3A_267, %dma_start3A_268] : memref<100000x2048xf32, #tpu.memory_space<hbm>> -> memref<100000x2048xf32, #tpu.memory_space<hbm>>
    tpu.enqueue_indirect_dma source(%dma_start3A_269 : memref<100000x2048xf32, #tpu.memory_space<hbm>>) target(%arg7 : memref<8x2048xf32, #tpu.memory_space<vmem>>) offsets(%dma_start3A_266 : memref<8xi32, #tpu.memory_space<vmem>>) semaphore(%arg14 : memref<!tpu.dma_semaphore, #tpu.memory_space<semaphore_mem>>)
    %dma_wait3A_270 = arith.constant 88 : i32
    %dma_wait3A_271 = tpu.memref_slice %arg5[%dma_wait3A_270] : memref<256xi32, #tpu.memory_space<vmem>> -> memref<8xi32, #tpu.memory_space<vmem>>
    %dma_wait3A_272 = arith.constant 0 : i32
    %dma_wait3A_273 = arith.constant 0 : i32
    %dma_wait3A_274 = tpu.memref_slice %arg3[%dma_wait3A_272, %dma_wait3A_273] : memref<100000x2048xf32, #tpu.memory_space<hbm>> -> memref<100000x2048xf32, #tpu.memory_space<hbm>>
    tpu.wait_indirect_dma semaphore(%arg17 : memref<!tpu.dma_semaphore, #tpu.memory_space<semaphore_mem>>) src(%dma_wait3A_274 : memref<100000x2048xf32, #tpu.memory_space<hbm>>) dst(%arg10 : memref<8x2048xf32, #tpu.memory_space<vmem>>)
    %add3A_275 = arith.constant 88 : i32
    %add3A_276 = arith.addi %mul3A_2, %add3A_275 : i32
    %dma_start3A_277 = arith.constant 0 : i32
    %dma_start3A_278 = tpu.memref_slice %arg4[%add3A_276, %dma_start3A_277] : memref<8192x2048xf32, #tpu.memory_space<hbm>> -> memref<8x2048xf32, #tpu.memory_space<hbm>>
    %dma_start3A_279 = arith.constant 0 : i32
    %dma_start3A_280 = tpu.memref_slice %arg4[%add3A_276, %dma_start3A_279] : memref<8192x2048xf32, #tpu.memory_space<hbm>> -> memref<8x2048xf32, #tpu.memory_space<hbm>>
    tpu.enqueue_dma source(%arg10 : memref<8x2048xf32, #tpu.memory_space<vmem>>) target(%dma_start3A_280 : memref<8x2048xf32, #tpu.memory_space<hbm>>) target_semaphore(%arg24 : memref<!tpu.dma_semaphore, #tpu.memory_space<semaphore_mem>>)
    %dma_wait3A_281 = arith.constant 0 : i32
    %dma_wait3A_282 = tpu.memref_slice %arg4[%add3A_236, %dma_wait3A_281] : memref<8192x2048xf32, #tpu.memory_space<hbm>> -> memref<8x2048xf32, #tpu.memory_space<hbm>>
    %dma_wait3A_283 = arith.constant 0 : i32
    %dma_wait3A_284 = tpu.memref_slice %arg4[%add3A_236, %dma_wait3A_283] : memref<8192x2048xf32, #tpu.memory_space<hbm>> -> memref<8x2048xf32, #tpu.memory_space<hbm>>
    tpu.wait_dma2 semaphore(%arg22 : memref<!tpu.dma_semaphore, #tpu.memory_space<semaphore_mem>>) src(%arg8 : memref<8x2048xf32, #tpu.memory_space<vmem>>) dst(%dma_wait3A_284 : memref<8x2048xf32, #tpu.memory_space<hbm>>)
    %dma_start3A_285 = arith.constant 128 : i32
    %dma_start3A_286 = tpu.memref_slice %arg5[%dma_start3A_285] : memref<256xi32, #tpu.memory_space<vmem>> -> memref<8xi32, #tpu.memory_space<vmem>>
    %dma_start3A_287 = arith.constant 0 : i32
    %dma_start3A_288 = arith.constant 0 : i32
    %dma_start3A_289 = tpu.memref_slice %arg3[%dma_start3A_287, %dma_start3A_288] : memref<100000x2048xf32, #tpu.memory_space<hbm>> -> memref<100000x2048xf32, #tpu.memory_space<hbm>>
    tpu.enqueue_indirect_dma source(%dma_start3A_289 : memref<100000x2048xf32, #tpu.memory_space<hbm>>) target(%arg8 : memref<8x2048xf32, #tpu.memory_space<vmem>>) offsets(%dma_start3A_286 : memref<8xi32, #tpu.memory_space<vmem>>) semaphore(%arg15 : memref<!tpu.dma_semaphore, #tpu.memory_space<semaphore_mem>>)
    %dma_wait3A_290 = arith.constant 96 : i32
    %dma_wait3A_291 = tpu.memref_slice %arg5[%dma_wait3A_290] : memref<256xi32, #tpu.memory_space<vmem>> -> memref<8xi32, #tpu.memory_space<vmem>>
    %dma_wait3A_292 = arith.constant 0 : i32
    %dma_wait3A_293 = arith.constant 0 : i32
    %dma_wait3A_294 = tpu.memref_slice %arg3[%dma_wait3A_292, %dma_wait3A_293] : memref<100000x2048xf32, #tpu.memory_space<hbm>> -> memref<100000x2048xf32, #tpu.memory_space<hbm>>
    tpu.wait_indirect_dma semaphore(%arg18 : memref<!tpu.dma_semaphore, #tpu.memory_space<semaphore_mem>>) src(%dma_wait3A_294 : memref<100000x2048xf32, #tpu.memory_space<hbm>>) dst(%arg11 : memref<8x2048xf32, #tpu.memory_space<vmem>>)
    %add3A_295 = arith.constant 96 : i32
    %add3A_296 = arith.addi %mul3A_2, %add3A_295 : i32
    %dma_start3A_297 = arith.constant 0 : i32
    %dma_start3A_298 = tpu.memref_slice %arg4[%add3A_296, %dma_start3A_297] : memref<8192x2048xf32, #tpu.memory_space<hbm>> -> memref<8x2048xf32, #tpu.memory_space<hbm>>
    %dma_start3A_299 = arith.constant 0 : i32
    %dma_start3A_300 = tpu.memref_slice %arg4[%add3A_296, %dma_start3A_299] : memref<8192x2048xf32, #tpu.memory_space<hbm>> -> memref<8x2048xf32, #tpu.memory_space<hbm>>
    tpu.enqueue_dma source(%arg11 : memref<8x2048xf32, #tpu.memory_space<vmem>>) target(%dma_start3A_300 : memref<8x2048xf32, #tpu.memory_space<hbm>>) target_semaphore(%arg25 : memref<!tpu.dma_semaphore, #tpu.memory_space<semaphore_mem>>)
    %dma_wait3A_301 = arith.constant 0 : i32
    %dma_wait3A_302 = tpu.memref_slice %arg4[%add3A_256, %dma_wait3A_301] : memref<8192x2048xf32, #tpu.memory_space<hbm>> -> memref<8x2048xf32, #tpu.memory_space<hbm>>
    %dma_wait3A_303 = arith.constant 0 : i32
    %dma_wait3A_304 = tpu.memref_slice %arg4[%add3A_256, %dma_wait3A_303] : memref<8192x2048xf32, #tpu.memory_space<hbm>> -> memref<8x2048xf32, #tpu.memory_space<hbm>>
    tpu.wait_dma2 semaphore(%arg23 : memref<!tpu.dma_semaphore, #tpu.memory_space<semaphore_mem>>) src(%arg9 : memref<8x2048xf32, #tpu.memory_space<vmem>>) dst(%dma_wait3A_304 : memref<8x2048xf32, #tpu.memory_space<hbm>>)
    %dma_start3A_305 = arith.constant 136 : i32
    %dma_start3A_306 = tpu.memref_slice %arg5[%dma_start3A_305] : memref<256xi32, #tpu.memory_space<vmem>> -> memref<8xi32, #tpu.memory_space<vmem>>
    %dma_start3A_307 = arith.constant 0 : i32
    %dma_start3A_308 = arith.constant 0 : i32
    %dma_start3A_309 = tpu.memref_slice %arg3[%dma_start3A_307, %dma_start3A_308] : memref<100000x2048xf32, #tpu.memory_space<hbm>> -> memref<100000x2048xf32, #tpu.memory_space<hbm>>
    tpu.enqueue_indirect_dma source(%dma_start3A_309 : memref<100000x2048xf32, #tpu.memory_space<hbm>>) target(%arg9 : memref<8x2048xf32, #tpu.memory_space<vmem>>) offsets(%dma_start3A_306 : memref<8xi32, #tpu.memory_space<vmem>>) semaphore(%arg16 : memref<!tpu.dma_semaphore, #tpu.memory_space<semaphore_mem>>)
    %dma_wait3A_310 = arith.constant 104 : i32
    %dma_wait3A_311 = tpu.memref_slice %arg5[%dma_wait3A_310] : memref<256xi32, #tpu.memory_space<vmem>> -> memref<8xi32, #tpu.memory_space<vmem>>
    %dma_wait3A_312 = arith.constant 0 : i32
    %dma_wait3A_313 = arith.constant 0 : i32
    %dma_wait3A_314 = tpu.memref_slice %arg3[%dma_wait3A_312, %dma_wait3A_313] : memref<100000x2048xf32, #tpu.memory_space<hbm>> -> memref<100000x2048xf32, #tpu.memory_space<hbm>>
    tpu.wait_indirect_dma semaphore(%arg19 : memref<!tpu.dma_semaphore, #tpu.memory_space<semaphore_mem>>) src(%dma_wait3A_314 : memref<100000x2048xf32, #tpu.memory_space<hbm>>) dst(%arg12 : memref<8x2048xf32, #tpu.memory_space<vmem>>)
    %add3A_315 = arith.constant 104 : i32
    %add3A_316 = arith.addi %mul3A_2, %add3A_315 : i32
    %dma_start3A_317 = arith.constant 0 : i32
    %dma_start3A_318 = tpu.memref_slice %arg4[%add3A_316, %dma_start3A_317] : memref<8192x2048xf32, #tpu.memory_space<hbm>> -> memref<8x2048xf32, #tpu.memory_space<hbm>>
    %dma_start3A_319 = arith.constant 0 : i32
    %dma_start3A_320 = tpu.memref_slice %arg4[%add3A_316, %dma_start3A_319] : memref<8192x2048xf32, #tpu.memory_space<hbm>> -> memref<8x2048xf32, #tpu.memory_space<hbm>>
    tpu.enqueue_dma source(%arg12 : memref<8x2048xf32, #tpu.memory_space<vmem>>) target(%dma_start3A_320 : memref<8x2048xf32, #tpu.memory_space<hbm>>) target_semaphore(%arg26 : memref<!tpu.dma_semaphore, #tpu.memory_space<semaphore_mem>>)
    %dma_wait3A_321 = arith.constant 0 : i32
    %dma_wait3A_322 = tpu.memref_slice %arg4[%add3A_276, %dma_wait3A_321] : memref<8192x2048xf32, #tpu.memory_space<hbm>> -> memref<8x2048xf32, #tpu.memory_space<hbm>>
    %dma_wait3A_323 = arith.constant 0 : i32
    %dma_wait3A_324 = tpu.memref_slice %arg4[%add3A_276, %dma_wait3A_323] : memref<8192x2048xf32, #tpu.memory_space<hbm>> -> memref<8x2048xf32, #tpu.memory_space<hbm>>
    tpu.wait_dma2 semaphore(%arg24 : memref<!tpu.dma_semaphore, #tpu.memory_space<semaphore_mem>>) src(%arg10 : memref<8x2048xf32, #tpu.memory_space<vmem>>) dst(%dma_wait3A_324 : memref<8x2048xf32, #tpu.memory_space<hbm>>)
    %dma_start3A_325 = arith.constant 144 : i32
    %dma_start3A_326 = tpu.memref_slice %arg5[%dma_start3A_325] : memref<256xi32, #tpu.memory_space<vmem>> -> memref<8xi32, #tpu.memory_space<vmem>>
    %dma_start3A_327 = arith.constant 0 : i32
    %dma_start3A_328 = arith.constant 0 : i32
    %dma_start3A_329 = tpu.memref_slice %arg3[%dma_start3A_327, %dma_start3A_328] : memref<100000x2048xf32, #tpu.memory_space<hbm>> -> memref<100000x2048xf32, #tpu.memory_space<hbm>>
    tpu.enqueue_indirect_dma source(%dma_start3A_329 : memref<100000x2048xf32, #tpu.memory_space<hbm>>) target(%arg10 : memref<8x2048xf32, #tpu.memory_space<vmem>>) offsets(%dma_start3A_326 : memref<8xi32, #tpu.memory_space<vmem>>) semaphore(%arg17 : memref<!tpu.dma_semaphore, #tpu.memory_space<semaphore_mem>>)
    %dma_wait3A_330 = arith.constant 112 : i32
    %dma_wait3A_331 = tpu.memref_slice %arg5[%dma_wait3A_330] : memref<256xi32, #tpu.memory_space<vmem>> -> memref<8xi32, #tpu.memory_space<vmem>>
    %dma_wait3A_332 = arith.constant 0 : i32
    %dma_wait3A_333 = arith.constant 0 : i32
    %dma_wait3A_334 = tpu.memref_slice %arg3[%dma_wait3A_332, %dma_wait3A_333] : memref<100000x2048xf32, #tpu.memory_space<hbm>> -> memref<100000x2048xf32, #tpu.memory_space<hbm>>
    tpu.wait_indirect_dma semaphore(%arg13 : memref<!tpu.dma_semaphore, #tpu.memory_space<semaphore_mem>>) src(%dma_wait3A_334 : memref<100000x2048xf32, #tpu.memory_space<hbm>>) dst(%arg6 : memref<8x2048xf32, #tpu.memory_space<vmem>>)
    %add3A_335 = arith.constant 112 : i32
    %add3A_336 = arith.addi %mul3A_2, %add3A_335 : i32
    %dma_start3A_337 = arith.constant 0 : i32
    %dma_start3A_338 = tpu.memref_slice %arg4[%add3A_336, %dma_start3A_337] : memref<8192x2048xf32, #tpu.memory_space<hbm>> -> memref<8x2048xf32, #tpu.memory_space<hbm>>
    %dma_start3A_339 = arith.constant 0 : i32
    %dma_start3A_340 = tpu.memref_slice %arg4[%add3A_336, %dma_start3A_339] : memref<8192x2048xf32, #tpu.memory_space<hbm>> -> memref<8x2048xf32, #tpu.memory_space<hbm>>
    tpu.enqueue_dma source(%arg6 : memref<8x2048xf32, #tpu.memory_space<vmem>>) target(%dma_start3A_340 : memref<8x2048xf32, #tpu.memory_space<hbm>>) target_semaphore(%arg20 : memref<!tpu.dma_semaphore, #tpu.memory_space<semaphore_mem>>)
    %dma_wait3A_341 = arith.constant 0 : i32
    %dma_wait3A_342 = tpu.memref_slice %arg4[%add3A_296, %dma_wait3A_341] : memref<8192x2048xf32, #tpu.memory_space<hbm>> -> memref<8x2048xf32, #tpu.memory_space<hbm>>
    %dma_wait3A_343 = arith.constant 0 : i32
    %dma_wait3A_344 = tpu.memref_slice %arg4[%add3A_296, %dma_wait3A_343] : memref<8192x2048xf32, #tpu.memory_space<hbm>> -> memref<8x2048xf32, #tpu.memory_space<hbm>>
    tpu.wait_dma2 semaphore(%arg25 : memref<!tpu.dma_semaphore, #tpu.memory_space<semaphore_mem>>) src(%arg11 : memref<8x2048xf32, #tpu.memory_space<vmem>>) dst(%dma_wait3A_344 : memref<8x2048xf32, #tpu.memory_space<hbm>>)
    %dma_start3A_345 = arith.constant 152 : i32
    %dma_start3A_346 = tpu.memref_slice %arg5[%dma_start3A_345] : memref<256xi32, #tpu.memory_space<vmem>> -> memref<8xi32, #tpu.memory_space<vmem>>
    %dma_start3A_347 = arith.constant 0 : i32
    %dma_start3A_348 = arith.constant 0 : i32
    %dma_start3A_349 = tpu.memref_slice %arg3[%dma_start3A_347, %dma_start3A_348] : memref<100000x2048xf32, #tpu.memory_space<hbm>> -> memref<100000x2048xf32, #tpu.memory_space<hbm>>
    tpu.enqueue_indirect_dma source(%dma_start3A_349 : memref<100000x2048xf32, #tpu.memory_space<hbm>>) target(%arg11 : memref<8x2048xf32, #tpu.memory_space<vmem>>) offsets(%dma_start3A_346 : memref<8xi32, #tpu.memory_space<vmem>>) semaphore(%arg18 : memref<!tpu.dma_semaphore, #tpu.memory_space<semaphore_mem>>)
    %dma_wait3A_350 = arith.constant 120 : i32
    %dma_wait3A_351 = tpu.memref_slice %arg5[%dma_wait3A_350] : memref<256xi32, #tpu.memory_space<vmem>> -> memref<8xi32, #tpu.memory_space<vmem>>
    %dma_wait3A_352 = arith.constant 0 : i32
    %dma_wait3A_353 = arith.constant 0 : i32
    %dma_wait3A_354 = tpu.memref_slice %arg3[%dma_wait3A_352, %dma_wait3A_353] : memref<100000x2048xf32, #tpu.memory_space<hbm>> -> memref<100000x2048xf32, #tpu.memory_space<hbm>>
    tpu.wait_indirect_dma semaphore(%arg14 : memref<!tpu.dma_semaphore, #tpu.memory_space<semaphore_mem>>) src(%dma_wait3A_354 : memref<100000x2048xf32, #tpu.memory_space<hbm>>) dst(%arg7 : memref<8x2048xf32, #tpu.memory_space<vmem>>)
    %add3A_355 = arith.constant 120 : i32
    %add3A_356 = arith.addi %mul3A_2, %add3A_355 : i32
    %dma_start3A_357 = arith.constant 0 : i32
    %dma_start3A_358 = tpu.memref_slice %arg4[%add3A_356, %dma_start3A_357] : memref<8192x2048xf32, #tpu.memory_space<hbm>> -> memref<8x2048xf32, #tpu.memory_space<hbm>>
    %dma_start3A_359 = arith.constant 0 : i32
    %dma_start3A_360 = tpu.memref_slice %arg4[%add3A_356, %dma_start3A_359] : memref<8192x2048xf32, #tpu.memory_space<hbm>> -> memref<8x2048xf32, #tpu.memory_space<hbm>>
    tpu.enqueue_dma source(%arg7 : memref<8x2048xf32, #tpu.memory_space<vmem>>) target(%dma_start3A_360 : memref<8x2048xf32, #tpu.memory_space<hbm>>) target_semaphore(%arg21 : memref<!tpu.dma_semaphore, #tpu.memory_space<semaphore_mem>>)
    %dma_wait3A_361 = arith.constant 0 : i32
    %dma_wait3A_362 = tpu.memref_slice %arg4[%add3A_316, %dma_wait3A_361] : memref<8192x2048xf32, #tpu.memory_space<hbm>> -> memref<8x2048xf32, #tpu.memory_space<hbm>>
    %dma_wait3A_363 = arith.constant 0 : i32
    %dma_wait3A_364 = tpu.memref_slice %arg4[%add3A_316, %dma_wait3A_363] : memref<8192x2048xf32, #tpu.memory_space<hbm>> -> memref<8x2048xf32, #tpu.memory_space<hbm>>
    tpu.wait_dma2 semaphore(%arg26 : memref<!tpu.dma_semaphore, #tpu.memory_space<semaphore_mem>>) src(%arg12 : memref<8x2048xf32, #tpu.memory_space<vmem>>) dst(%dma_wait3A_364 : memref<8x2048xf32, #tpu.memory_space<hbm>>)
    %dma_start3A_365 = arith.constant 160 : i32
    %dma_start3A_366 = tpu.memref_slice %arg5[%dma_start3A_365] : memref<256xi32, #tpu.memory_space<vmem>> -> memref<8xi32, #tpu.memory_space<vmem>>
    %dma_start3A_367 = arith.constant 0 : i32
    %dma_start3A_368 = arith.constant 0 : i32
    %dma_start3A_369 = tpu.memref_slice %arg3[%dma_start3A_367, %dma_start3A_368] : memref<100000x2048xf32, #tpu.memory_space<hbm>> -> memref<100000x2048xf32, #tpu.memory_space<hbm>>
    tpu.enqueue_indirect_dma source(%dma_start3A_369 : memref<100000x2048xf32, #tpu.memory_space<hbm>>) target(%arg12 : memref<8x2048xf32, #tpu.memory_space<vmem>>) offsets(%dma_start3A_366 : memref<8xi32, #tpu.memory_space<vmem>>) semaphore(%arg19 : memref<!tpu.dma_semaphore, #tpu.memory_space<semaphore_mem>>)
    %dma_wait3A_370 = arith.constant 128 : i32
    %dma_wait3A_371 = tpu.memref_slice %arg5[%dma_wait3A_370] : memref<256xi32, #tpu.memory_space<vmem>> -> memref<8xi32, #tpu.memory_space<vmem>>
    %dma_wait3A_372 = arith.constant 0 : i32
    %dma_wait3A_373 = arith.constant 0 : i32
    %dma_wait3A_374 = tpu.memref_slice %arg3[%dma_wait3A_372, %dma_wait3A_373] : memref<100000x2048xf32, #tpu.memory_space<hbm>> -> memref<100000x2048xf32, #tpu.memory_space<hbm>>
    tpu.wait_indirect_dma semaphore(%arg15 : memref<!tpu.dma_semaphore, #tpu.memory_space<semaphore_mem>>) src(%dma_wait3A_374 : memref<100000x2048xf32, #tpu.memory_space<hbm>>) dst(%arg8 : memref<8x2048xf32, #tpu.memory_space<vmem>>)
    %add3A_375 = arith.constant 128 : i32
    %add3A_376 = arith.addi %mul3A_2, %add3A_375 : i32
    %dma_start3A_377 = arith.constant 0 : i32
    %dma_start3A_378 = tpu.memref_slice %arg4[%add3A_376, %dma_start3A_377] : memref<8192x2048xf32, #tpu.memory_space<hbm>> -> memref<8x2048xf32, #tpu.memory_space<hbm>>
    %dma_start3A_379 = arith.constant 0 : i32
    %dma_start3A_380 = tpu.memref_slice %arg4[%add3A_376, %dma_start3A_379] : memref<8192x2048xf32, #tpu.memory_space<hbm>> -> memref<8x2048xf32, #tpu.memory_space<hbm>>
    tpu.enqueue_dma source(%arg8 : memref<8x2048xf32, #tpu.memory_space<vmem>>) target(%dma_start3A_380 : memref<8x2048xf32, #tpu.memory_space<hbm>>) target_semaphore(%arg22 : memref<!tpu.dma_semaphore, #tpu.memory_space<semaphore_mem>>)
    %dma_wait3A_381 = arith.constant 0 : i32
    %dma_wait3A_382 = tpu.memref_slice %arg4[%add3A_336, %dma_wait3A_381] : memref<8192x2048xf32, #tpu.memory_space<hbm>> -> memref<8x2048xf32, #tpu.memory_space<hbm>>
    %dma_wait3A_383 = arith.constant 0 : i32
    %dma_wait3A_384 = tpu.memref_slice %arg4[%add3A_336, %dma_wait3A_383] : memref<8192x2048xf32, #tpu.memory_space<hbm>> -> memref<8x2048xf32, #tpu.memory_space<hbm>>
    tpu.wait_dma2 semaphore(%arg20 : memref<!tpu.dma_semaphore, #tpu.memory_space<semaphore_mem>>) src(%arg6 : memref<8x2048xf32, #tpu.memory_space<vmem>>) dst(%dma_wait3A_384 : memref<8x2048xf32, #tpu.memory_space<hbm>>)
    %dma_start3A_385 = arith.constant 168 : i32
    %dma_start3A_386 = tpu.memref_slice %arg5[%dma_start3A_385] : memref<256xi32, #tpu.memory_space<vmem>> -> memref<8xi32, #tpu.memory_space<vmem>>
    %dma_start3A_387 = arith.constant 0 : i32
    %dma_start3A_388 = arith.constant 0 : i32
    %dma_start3A_389 = tpu.memref_slice %arg3[%dma_start3A_387, %dma_start3A_388] : memref<100000x2048xf32, #tpu.memory_space<hbm>> -> memref<100000x2048xf32, #tpu.memory_space<hbm>>
    tpu.enqueue_indirect_dma source(%dma_start3A_389 : memref<100000x2048xf32, #tpu.memory_space<hbm>>) target(%arg6 : memref<8x2048xf32, #tpu.memory_space<vmem>>) offsets(%dma_start3A_386 : memref<8xi32, #tpu.memory_space<vmem>>) semaphore(%arg13 : memref<!tpu.dma_semaphore, #tpu.memory_space<semaphore_mem>>)
    %dma_wait3A_390 = arith.constant 136 : i32
    %dma_wait3A_391 = tpu.memref_slice %arg5[%dma_wait3A_390] : memref<256xi32, #tpu.memory_space<vmem>> -> memref<8xi32, #tpu.memory_space<vmem>>
    %dma_wait3A_392 = arith.constant 0 : i32
    %dma_wait3A_393 = arith.constant 0 : i32
    %dma_wait3A_394 = tpu.memref_slice %arg3[%dma_wait3A_392, %dma_wait3A_393] : memref<100000x2048xf32, #tpu.memory_space<hbm>> -> memref<100000x2048xf32, #tpu.memory_space<hbm>>
    tpu.wait_indirect_dma semaphore(%arg16 : memref<!tpu.dma_semaphore, #tpu.memory_space<semaphore_mem>>) src(%dma_wait3A_394 : memref<100000x2048xf32, #tpu.memory_space<hbm>>) dst(%arg9 : memref<8x2048xf32, #tpu.memory_space<vmem>>)
    %add3A_395 = arith.constant 136 : i32
    %add3A_396 = arith.addi %mul3A_2, %add3A_395 : i32
    %dma_start3A_397 = arith.constant 0 : i32
    %dma_start3A_398 = tpu.memref_slice %arg4[%add3A_396, %dma_start3A_397] : memref<8192x2048xf32, #tpu.memory_space<hbm>> -> memref<8x2048xf32, #tpu.memory_space<hbm>>
    %dma_start3A_399 = arith.constant 0 : i32
    %dma_start3A_400 = tpu.memref_slice %arg4[%add3A_396, %dma_start3A_399] : memref<8192x2048xf32, #tpu.memory_space<hbm>> -> memref<8x2048xf32, #tpu.memory_space<hbm>>
    tpu.enqueue_dma source(%arg9 : memref<8x2048xf32, #tpu.memory_space<vmem>>) target(%dma_start3A_400 : memref<8x2048xf32, #tpu.memory_space<hbm>>) target_semaphore(%arg23 : memref<!tpu.dma_semaphore, #tpu.memory_space<semaphore_mem>>)
    %dma_wait3A_401 = arith.constant 0 : i32
    %dma_wait3A_402 = tpu.memref_slice %arg4[%add3A_356, %dma_wait3A_401] : memref<8192x2048xf32, #tpu.memory_space<hbm>> -> memref<8x2048xf32, #tpu.memory_space<hbm>>
    %dma_wait3A_403 = arith.constant 0 : i32
    %dma_wait3A_404 = tpu.memref_slice %arg4[%add3A_356, %dma_wait3A_403] : memref<8192x2048xf32, #tpu.memory_space<hbm>> -> memref<8x2048xf32, #tpu.memory_space<hbm>>
    tpu.wait_dma2 semaphore(%arg21 : memref<!tpu.dma_semaphore, #tpu.memory_space<semaphore_mem>>) src(%arg7 : memref<8x2048xf32, #tpu.memory_space<vmem>>) dst(%dma_wait3A_404 : memref<8x2048xf32, #tpu.memory_space<hbm>>)
    %dma_start3A_405 = arith.constant 176 : i32
    %dma_start3A_406 = tpu.memref_slice %arg5[%dma_start3A_405] : memref<256xi32, #tpu.memory_space<vmem>> -> memref<8xi32, #tpu.memory_space<vmem>>
    %dma_start3A_407 = arith.constant 0 : i32
    %dma_start3A_408 = arith.constant 0 : i32
    %dma_start3A_409 = tpu.memref_slice %arg3[%dma_start3A_407, %dma_start3A_408] : memref<100000x2048xf32, #tpu.memory_space<hbm>> -> memref<100000x2048xf32, #tpu.memory_space<hbm>>
    tpu.enqueue_indirect_dma source(%dma_start3A_409 : memref<100000x2048xf32, #tpu.memory_space<hbm>>) target(%arg7 : memref<8x2048xf32, #tpu.memory_space<vmem>>) offsets(%dma_start3A_406 : memref<8xi32, #tpu.memory_space<vmem>>) semaphore(%arg14 : memref<!tpu.dma_semaphore, #tpu.memory_space<semaphore_mem>>)
    %dma_wait3A_410 = arith.constant 144 : i32
    %dma_wait3A_411 = tpu.memref_slice %arg5[%dma_wait3A_410] : memref<256xi32, #tpu.memory_space<vmem>> -> memref<8xi32, #tpu.memory_space<vmem>>
    %dma_wait3A_412 = arith.constant 0 : i32
    %dma_wait3A_413 = arith.constant 0 : i32
    %dma_wait3A_414 = tpu.memref_slice %arg3[%dma_wait3A_412, %dma_wait3A_413] : memref<100000x2048xf32, #tpu.memory_space<hbm>> -> memref<100000x2048xf32, #tpu.memory_space<hbm>>
    tpu.wait_indirect_dma semaphore(%arg17 : memref<!tpu.dma_semaphore, #tpu.memory_space<semaphore_mem>>) src(%dma_wait3A_414 : memref<100000x2048xf32, #tpu.memory_space<hbm>>) dst(%arg10 : memref<8x2048xf32, #tpu.memory_space<vmem>>)
    %add3A_415 = arith.constant 144 : i32
    %add3A_416 = arith.addi %mul3A_2, %add3A_415 : i32
    %dma_start3A_417 = arith.constant 0 : i32
    %dma_start3A_418 = tpu.memref_slice %arg4[%add3A_416, %dma_start3A_417] : memref<8192x2048xf32, #tpu.memory_space<hbm>> -> memref<8x2048xf32, #tpu.memory_space<hbm>>
    %dma_start3A_419 = arith.constant 0 : i32
    %dma_start3A_420 = tpu.memref_slice %arg4[%add3A_416, %dma_start3A_419] : memref<8192x2048xf32, #tpu.memory_space<hbm>> -> memref<8x2048xf32, #tpu.memory_space<hbm>>
    tpu.enqueue_dma source(%arg10 : memref<8x2048xf32, #tpu.memory_space<vmem>>) target(%dma_start3A_420 : memref<8x2048xf32, #tpu.memory_space<hbm>>) target_semaphore(%arg24 : memref<!tpu.dma_semaphore, #tpu.memory_space<semaphore_mem>>)
    %dma_wait3A_421 = arith.constant 0 : i32
    %dma_wait3A_422 = tpu.memref_slice %arg4[%add3A_376, %dma_wait3A_421] : memref<8192x2048xf32, #tpu.memory_space<hbm>> -> memref<8x2048xf32, #tpu.memory_space<hbm>>
    %dma_wait3A_423 = arith.constant 0 : i32
    %dma_wait3A_424 = tpu.memref_slice %arg4[%add3A_376, %dma_wait3A_423] : memref<8192x2048xf32, #tpu.memory_space<hbm>> -> memref<8x2048xf32, #tpu.memory_space<hbm>>
    tpu.wait_dma2 semaphore(%arg22 : memref<!tpu.dma_semaphore, #tpu.memory_space<semaphore_mem>>) src(%arg8 : memref<8x2048xf32, #tpu.memory_space<vmem>>) dst(%dma_wait3A_424 : memref<8x2048xf32, #tpu.memory_space<hbm>>)
    %dma_start3A_425 = arith.constant 184 : i32
    %dma_start3A_426 = tpu.memref_slice %arg5[%dma_start3A_425] : memref<256xi32, #tpu.memory_space<vmem>> -> memref<8xi32, #tpu.memory_space<vmem>>
    %dma_start3A_427 = arith.constant 0 : i32
    %dma_start3A_428 = arith.constant 0 : i32
    %dma_start3A_429 = tpu.memref_slice %arg3[%dma_start3A_427, %dma_start3A_428] : memref<100000x2048xf32, #tpu.memory_space<hbm>> -> memref<100000x2048xf32, #tpu.memory_space<hbm>>
    tpu.enqueue_indirect_dma source(%dma_start3A_429 : memref<100000x2048xf32, #tpu.memory_space<hbm>>) target(%arg8 : memref<8x2048xf32, #tpu.memory_space<vmem>>) offsets(%dma_start3A_426 : memref<8xi32, #tpu.memory_space<vmem>>) semaphore(%arg15 : memref<!tpu.dma_semaphore, #tpu.memory_space<semaphore_mem>>)
    %dma_wait3A_430 = arith.constant 152 : i32
    %dma_wait3A_431 = tpu.memref_slice %arg5[%dma_wait3A_430] : memref<256xi32, #tpu.memory_space<vmem>> -> memref<8xi32, #tpu.memory_space<vmem>>
    %dma_wait3A_432 = arith.constant 0 : i32
    %dma_wait3A_433 = arith.constant 0 : i32
    %dma_wait3A_434 = tpu.memref_slice %arg3[%dma_wait3A_432, %dma_wait3A_433] : memref<100000x2048xf32, #tpu.memory_space<hbm>> -> memref<100000x2048xf32, #tpu.memory_space<hbm>>
    tpu.wait_indirect_dma semaphore(%arg18 : memref<!tpu.dma_semaphore, #tpu.memory_space<semaphore_mem>>) src(%dma_wait3A_434 : memref<100000x2048xf32, #tpu.memory_space<hbm>>) dst(%arg11 : memref<8x2048xf32, #tpu.memory_space<vmem>>)
    %add3A_435 = arith.constant 152 : i32
    %add3A_436 = arith.addi %mul3A_2, %add3A_435 : i32
    %dma_start3A_437 = arith.constant 0 : i32
    %dma_start3A_438 = tpu.memref_slice %arg4[%add3A_436, %dma_start3A_437] : memref<8192x2048xf32, #tpu.memory_space<hbm>> -> memref<8x2048xf32, #tpu.memory_space<hbm>>
    %dma_start3A_439 = arith.constant 0 : i32
    %dma_start3A_440 = tpu.memref_slice %arg4[%add3A_436, %dma_start3A_439] : memref<8192x2048xf32, #tpu.memory_space<hbm>> -> memref<8x2048xf32, #tpu.memory_space<hbm>>
    tpu.enqueue_dma source(%arg11 : memref<8x2048xf32, #tpu.memory_space<vmem>>) target(%dma_start3A_440 : memref<8x2048xf32, #tpu.memory_space<hbm>>) target_semaphore(%arg25 : memref<!tpu.dma_semaphore, #tpu.memory_space<semaphore_mem>>)
    %dma_wait3A_441 = arith.constant 0 : i32
    %dma_wait3A_442 = tpu.memref_slice %arg4[%add3A_396, %dma_wait3A_441] : memref<8192x2048xf32, #tpu.memory_space<hbm>> -> memref<8x2048xf32, #tpu.memory_space<hbm>>
    %dma_wait3A_443 = arith.constant 0 : i32
    %dma_wait3A_444 = tpu.memref_slice %arg4[%add3A_396, %dma_wait3A_443] : memref<8192x2048xf32, #tpu.memory_space<hbm>> -> memref<8x2048xf32, #tpu.memory_space<hbm>>
    tpu.wait_dma2 semaphore(%arg23 : memref<!tpu.dma_semaphore, #tpu.memory_space<semaphore_mem>>) src(%arg9 : memref<8x2048xf32, #tpu.memory_space<vmem>>) dst(%dma_wait3A_444 : memref<8x2048xf32, #tpu.memory_space<hbm>>)
    %dma_start3A_445 = arith.constant 192 : i32
    %dma_start3A_446 = tpu.memref_slice %arg5[%dma_start3A_445] : memref<256xi32, #tpu.memory_space<vmem>> -> memref<8xi32, #tpu.memory_space<vmem>>
    %dma_start3A_447 = arith.constant 0 : i32
    %dma_start3A_448 = arith.constant 0 : i32
    %dma_start3A_449 = tpu.memref_slice %arg3[%dma_start3A_447, %dma_start3A_448] : memref<100000x2048xf32, #tpu.memory_space<hbm>> -> memref<100000x2048xf32, #tpu.memory_space<hbm>>
    tpu.enqueue_indirect_dma source(%dma_start3A_449 : memref<100000x2048xf32, #tpu.memory_space<hbm>>) target(%arg9 : memref<8x2048xf32, #tpu.memory_space<vmem>>) offsets(%dma_start3A_446 : memref<8xi32, #tpu.memory_space<vmem>>) semaphore(%arg16 : memref<!tpu.dma_semaphore, #tpu.memory_space<semaphore_mem>>)
    %dma_wait3A_450 = arith.constant 160 : i32
    %dma_wait3A_451 = tpu.memref_slice %arg5[%dma_wait3A_450] : memref<256xi32, #tpu.memory_space<vmem>> -> memref<8xi32, #tpu.memory_space<vmem>>
    %dma_wait3A_452 = arith.constant 0 : i32
    %dma_wait3A_453 = arith.constant 0 : i32
    %dma_wait3A_454 = tpu.memref_slice %arg3[%dma_wait3A_452, %dma_wait3A_453] : memref<100000x2048xf32, #tpu.memory_space<hbm>> -> memref<100000x2048xf32, #tpu.memory_space<hbm>>
    tpu.wait_indirect_dma semaphore(%arg19 : memref<!tpu.dma_semaphore, #tpu.memory_space<semaphore_mem>>) src(%dma_wait3A_454 : memref<100000x2048xf32, #tpu.memory_space<hbm>>) dst(%arg12 : memref<8x2048xf32, #tpu.memory_space<vmem>>)
    %add3A_455 = arith.constant 160 : i32
    %add3A_456 = arith.addi %mul3A_2, %add3A_455 : i32
    %dma_start3A_457 = arith.constant 0 : i32
    %dma_start3A_458 = tpu.memref_slice %arg4[%add3A_456, %dma_start3A_457] : memref<8192x2048xf32, #tpu.memory_space<hbm>> -> memref<8x2048xf32, #tpu.memory_space<hbm>>
    %dma_start3A_459 = arith.constant 0 : i32
    %dma_start3A_460 = tpu.memref_slice %arg4[%add3A_456, %dma_start3A_459] : memref<8192x2048xf32, #tpu.memory_space<hbm>> -> memref<8x2048xf32, #tpu.memory_space<hbm>>
    tpu.enqueue_dma source(%arg12 : memref<8x2048xf32, #tpu.memory_space<vmem>>) target(%dma_start3A_460 : memref<8x2048xf32, #tpu.memory_space<hbm>>) target_semaphore(%arg26 : memref<!tpu.dma_semaphore, #tpu.memory_space<semaphore_mem>>)
    %dma_wait3A_461 = arith.constant 0 : i32
    %dma_wait3A_462 = tpu.memref_slice %arg4[%add3A_416, %dma_wait3A_461] : memref<8192x2048xf32, #tpu.memory_space<hbm>> -> memref<8x2048xf32, #tpu.memory_space<hbm>>
    %dma_wait3A_463 = arith.constant 0 : i32
    %dma_wait3A_464 = tpu.memref_slice %arg4[%add3A_416, %dma_wait3A_463] : memref<8192x2048xf32, #tpu.memory_space<hbm>> -> memref<8x2048xf32, #tpu.memory_space<hbm>>
    tpu.wait_dma2 semaphore(%arg24 : memref<!tpu.dma_semaphore, #tpu.memory_space<semaphore_mem>>) src(%arg10 : memref<8x2048xf32, #tpu.memory_space<vmem>>) dst(%dma_wait3A_464 : memref<8x2048xf32, #tpu.memory_space<hbm>>)
    %dma_start3A_465 = arith.constant 200 : i32
    %dma_start3A_466 = tpu.memref_slice %arg5[%dma_start3A_465] : memref<256xi32, #tpu.memory_space<vmem>> -> memref<8xi32, #tpu.memory_space<vmem>>
    %dma_start3A_467 = arith.constant 0 : i32
    %dma_start3A_468 = arith.constant 0 : i32
    %dma_start3A_469 = tpu.memref_slice %arg3[%dma_start3A_467, %dma_start3A_468] : memref<100000x2048xf32, #tpu.memory_space<hbm>> -> memref<100000x2048xf32, #tpu.memory_space<hbm>>
    tpu.enqueue_indirect_dma source(%dma_start3A_469 : memref<100000x2048xf32, #tpu.memory_space<hbm>>) target(%arg10 : memref<8x2048xf32, #tpu.memory_space<vmem>>) offsets(%dma_start3A_466 : memref<8xi32, #tpu.memory_space<vmem>>) semaphore(%arg17 : memref<!tpu.dma_semaphore, #tpu.memory_space<semaphore_mem>>)
    %dma_wait3A_470 = arith.constant 168 : i32
    %dma_wait3A_471 = tpu.memref_slice %arg5[%dma_wait3A_470] : memref<256xi32, #tpu.memory_space<vmem>> -> memref<8xi32, #tpu.memory_space<vmem>>
    %dma_wait3A_472 = arith.constant 0 : i32
    %dma_wait3A_473 = arith.constant 0 : i32
    %dma_wait3A_474 = tpu.memref_slice %arg3[%dma_wait3A_472, %dma_wait3A_473] : memref<100000x2048xf32, #tpu.memory_space<hbm>> -> memref<100000x2048xf32, #tpu.memory_space<hbm>>
    tpu.wait_indirect_dma semaphore(%arg13 : memref<!tpu.dma_semaphore, #tpu.memory_space<semaphore_mem>>) src(%dma_wait3A_474 : memref<100000x2048xf32, #tpu.memory_space<hbm>>) dst(%arg6 : memref<8x2048xf32, #tpu.memory_space<vmem>>)
    %add3A_475 = arith.constant 168 : i32
    %add3A_476 = arith.addi %mul3A_2, %add3A_475 : i32
    %dma_start3A_477 = arith.constant 0 : i32
    %dma_start3A_478 = tpu.memref_slice %arg4[%add3A_476, %dma_start3A_477] : memref<8192x2048xf32, #tpu.memory_space<hbm>> -> memref<8x2048xf32, #tpu.memory_space<hbm>>
    %dma_start3A_479 = arith.constant 0 : i32
    %dma_start3A_480 = tpu.memref_slice %arg4[%add3A_476, %dma_start3A_479] : memref<8192x2048xf32, #tpu.memory_space<hbm>> -> memref<8x2048xf32, #tpu.memory_space<hbm>>
    tpu.enqueue_dma source(%arg6 : memref<8x2048xf32, #tpu.memory_space<vmem>>) target(%dma_start3A_480 : memref<8x2048xf32, #tpu.memory_space<hbm>>) target_semaphore(%arg20 : memref<!tpu.dma_semaphore, #tpu.memory_space<semaphore_mem>>)
    %dma_wait3A_481 = arith.constant 0 : i32
    %dma_wait3A_482 = tpu.memref_slice %arg4[%add3A_436, %dma_wait3A_481] : memref<8192x2048xf32, #tpu.memory_space<hbm>> -> memref<8x2048xf32, #tpu.memory_space<hbm>>
    %dma_wait3A_483 = arith.constant 0 : i32
    %dma_wait3A_484 = tpu.memref_slice %arg4[%add3A_436, %dma_wait3A_483] : memref<8192x2048xf32, #tpu.memory_space<hbm>> -> memref<8x2048xf32, #tpu.memory_space<hbm>>
    tpu.wait_dma2 semaphore(%arg25 : memref<!tpu.dma_semaphore, #tpu.memory_space<semaphore_mem>>) src(%arg11 : memref<8x2048xf32, #tpu.memory_space<vmem>>) dst(%dma_wait3A_484 : memref<8x2048xf32, #tpu.memory_space<hbm>>)
    %dma_start3A_485 = arith.constant 208 : i32
    %dma_start3A_486 = tpu.memref_slice %arg5[%dma_start3A_485] : memref<256xi32, #tpu.memory_space<vmem>> -> memref<8xi32, #tpu.memory_space<vmem>>
    %dma_start3A_487 = arith.constant 0 : i32
    %dma_start3A_488 = arith.constant 0 : i32
    %dma_start3A_489 = tpu.memref_slice %arg3[%dma_start3A_487, %dma_start3A_488] : memref<100000x2048xf32, #tpu.memory_space<hbm>> -> memref<100000x2048xf32, #tpu.memory_space<hbm>>
    tpu.enqueue_indirect_dma source(%dma_start3A_489 : memref<100000x2048xf32, #tpu.memory_space<hbm>>) target(%arg11 : memref<8x2048xf32, #tpu.memory_space<vmem>>) offsets(%dma_start3A_486 : memref<8xi32, #tpu.memory_space<vmem>>) semaphore(%arg18 : memref<!tpu.dma_semaphore, #tpu.memory_space<semaphore_mem>>)
    %dma_wait3A_490 = arith.constant 176 : i32
    %dma_wait3A_491 = tpu.memref_slice %arg5[%dma_wait3A_490] : memref<256xi32, #tpu.memory_space<vmem>> -> memref<8xi32, #tpu.memory_space<vmem>>
    %dma_wait3A_492 = arith.constant 0 : i32
    %dma_wait3A_493 = arith.constant 0 : i32
    %dma_wait3A_494 = tpu.memref_slice %arg3[%dma_wait3A_492, %dma_wait3A_493] : memref<100000x2048xf32, #tpu.memory_space<hbm>> -> memref<100000x2048xf32, #tpu.memory_space<hbm>>
    tpu.wait_indirect_dma semaphore(%arg14 : memref<!tpu.dma_semaphore, #tpu.memory_space<semaphore_mem>>) src(%dma_wait3A_494 : memref<100000x2048xf32, #tpu.memory_space<hbm>>) dst(%arg7 : memref<8x2048xf32, #tpu.memory_space<vmem>>)
    %add3A_495 = arith.constant 176 : i32
    %add3A_496 = arith.addi %mul3A_2, %add3A_495 : i32
    %dma_start3A_497 = arith.constant 0 : i32
    %dma_start3A_498 = tpu.memref_slice %arg4[%add3A_496, %dma_start3A_497] : memref<8192x2048xf32, #tpu.memory_space<hbm>> -> memref<8x2048xf32, #tpu.memory_space<hbm>>
    %dma_start3A_499 = arith.constant 0 : i32
    %dma_start3A_500 = tpu.memref_slice %arg4[%add3A_496, %dma_start3A_499] : memref<8192x2048xf32, #tpu.memory_space<hbm>> -> memref<8x2048xf32, #tpu.memory_space<hbm>>
    tpu.enqueue_dma source(%arg7 : memref<8x2048xf32, #tpu.memory_space<vmem>>) target(%dma_start3A_500 : memref<8x2048xf32, #tpu.memory_space<hbm>>) target_semaphore(%arg21 : memref<!tpu.dma_semaphore, #tpu.memory_space<semaphore_mem>>)
    %dma_wait3A_501 = arith.constant 0 : i32
    %dma_wait3A_502 = tpu.memref_slice %arg4[%add3A_456, %dma_wait3A_501] : memref<8192x2048xf32, #tpu.memory_space<hbm>> -> memref<8x2048xf32, #tpu.memory_space<hbm>>
    %dma_wait3A_503 = arith.constant 0 : i32
    %dma_wait3A_504 = tpu.memref_slice %arg4[%add3A_456, %dma_wait3A_503] : memref<8192x2048xf32, #tpu.memory_space<hbm>> -> memref<8x2048xf32, #tpu.memory_space<hbm>>
    tpu.wait_dma2 semaphore(%arg26 : memref<!tpu.dma_semaphore, #tpu.memory_space<semaphore_mem>>) src(%arg12 : memref<8x2048xf32, #tpu.memory_space<vmem>>) dst(%dma_wait3A_504 : memref<8x2048xf32, #tpu.memory_space<hbm>>)
    %dma_start3A_505 = arith.constant 216 : i32
    %dma_start3A_506 = tpu.memref_slice %arg5[%dma_start3A_505] : memref<256xi32, #tpu.memory_space<vmem>> -> memref<8xi32, #tpu.memory_space<vmem>>
    %dma_start3A_507 = arith.constant 0 : i32
    %dma_start3A_508 = arith.constant 0 : i32
    %dma_start3A_509 = tpu.memref_slice %arg3[%dma_start3A_507, %dma_start3A_508] : memref<100000x2048xf32, #tpu.memory_space<hbm>> -> memref<100000x2048xf32, #tpu.memory_space<hbm>>
    tpu.enqueue_indirect_dma source(%dma_start3A_509 : memref<100000x2048xf32, #tpu.memory_space<hbm>>) target(%arg12 : memref<8x2048xf32, #tpu.memory_space<vmem>>) offsets(%dma_start3A_506 : memref<8xi32, #tpu.memory_space<vmem>>) semaphore(%arg19 : memref<!tpu.dma_semaphore, #tpu.memory_space<semaphore_mem>>)
    %dma_wait3A_510 = arith.constant 184 : i32
    %dma_wait3A_511 = tpu.memref_slice %arg5[%dma_wait3A_510] : memref<256xi32, #tpu.memory_space<vmem>> -> memref<8xi32, #tpu.memory_space<vmem>>
    %dma_wait3A_512 = arith.constant 0 : i32
    %dma_wait3A_513 = arith.constant 0 : i32
    %dma_wait3A_514 = tpu.memref_slice %arg3[%dma_wait3A_512, %dma_wait3A_513] : memref<100000x2048xf32, #tpu.memory_space<hbm>> -> memref<100000x2048xf32, #tpu.memory_space<hbm>>
    tpu.wait_indirect_dma semaphore(%arg15 : memref<!tpu.dma_semaphore, #tpu.memory_space<semaphore_mem>>) src(%dma_wait3A_514 : memref<100000x2048xf32, #tpu.memory_space<hbm>>) dst(%arg8 : memref<8x2048xf32, #tpu.memory_space<vmem>>)
    %add3A_515 = arith.constant 184 : i32
    %add3A_516 = arith.addi %mul3A_2, %add3A_515 : i32
    %dma_start3A_517 = arith.constant 0 : i32
    %dma_start3A_518 = tpu.memref_slice %arg4[%add3A_516, %dma_start3A_517] : memref<8192x2048xf32, #tpu.memory_space<hbm>> -> memref<8x2048xf32, #tpu.memory_space<hbm>>
    %dma_start3A_519 = arith.constant 0 : i32
    %dma_start3A_520 = tpu.memref_slice %arg4[%add3A_516, %dma_start3A_519] : memref<8192x2048xf32, #tpu.memory_space<hbm>> -> memref<8x2048xf32, #tpu.memory_space<hbm>>
    tpu.enqueue_dma source(%arg8 : memref<8x2048xf32, #tpu.memory_space<vmem>>) target(%dma_start3A_520 : memref<8x2048xf32, #tpu.memory_space<hbm>>) target_semaphore(%arg22 : memref<!tpu.dma_semaphore, #tpu.memory_space<semaphore_mem>>)
    %dma_wait3A_521 = arith.constant 0 : i32
    %dma_wait3A_522 = tpu.memref_slice %arg4[%add3A_476, %dma_wait3A_521] : memref<8192x2048xf32, #tpu.memory_space<hbm>> -> memref<8x2048xf32, #tpu.memory_space<hbm>>
    %dma_wait3A_523 = arith.constant 0 : i32
    %dma_wait3A_524 = tpu.memref_slice %arg4[%add3A_476, %dma_wait3A_523] : memref<8192x2048xf32, #tpu.memory_space<hbm>> -> memref<8x2048xf32, #tpu.memory_space<hbm>>
    tpu.wait_dma2 semaphore(%arg20 : memref<!tpu.dma_semaphore, #tpu.memory_space<semaphore_mem>>) src(%arg6 : memref<8x2048xf32, #tpu.memory_space<vmem>>) dst(%dma_wait3A_524 : memref<8x2048xf32, #tpu.memory_space<hbm>>)
    %dma_start3A_525 = arith.constant 224 : i32
    %dma_start3A_526 = tpu.memref_slice %arg5[%dma_start3A_525] : memref<256xi32, #tpu.memory_space<vmem>> -> memref<8xi32, #tpu.memory_space<vmem>>
    %dma_start3A_527 = arith.constant 0 : i32
    %dma_start3A_528 = arith.constant 0 : i32
    %dma_start3A_529 = tpu.memref_slice %arg3[%dma_start3A_527, %dma_start3A_528] : memref<100000x2048xf32, #tpu.memory_space<hbm>> -> memref<100000x2048xf32, #tpu.memory_space<hbm>>
    tpu.enqueue_indirect_dma source(%dma_start3A_529 : memref<100000x2048xf32, #tpu.memory_space<hbm>>) target(%arg6 : memref<8x2048xf32, #tpu.memory_space<vmem>>) offsets(%dma_start3A_526 : memref<8xi32, #tpu.memory_space<vmem>>) semaphore(%arg13 : memref<!tpu.dma_semaphore, #tpu.memory_space<semaphore_mem>>)
    %dma_wait3A_530 = arith.constant 192 : i32
    %dma_wait3A_531 = tpu.memref_slice %arg5[%dma_wait3A_530] : memref<256xi32, #tpu.memory_space<vmem>> -> memref<8xi32, #tpu.memory_space<vmem>>
    %dma_wait3A_532 = arith.constant 0 : i32
    %dma_wait3A_533 = arith.constant 0 : i32
    %dma_wait3A_534 = tpu.memref_slice %arg3[%dma_wait3A_532, %dma_wait3A_533] : memref<100000x2048xf32, #tpu.memory_space<hbm>> -> memref<100000x2048xf32, #tpu.memory_space<hbm>>
    tpu.wait_indirect_dma semaphore(%arg16 : memref<!tpu.dma_semaphore, #tpu.memory_space<semaphore_mem>>) src(%dma_wait3A_534 : memref<100000x2048xf32, #tpu.memory_space<hbm>>) dst(%arg9 : memref<8x2048xf32, #tpu.memory_space<vmem>>)
    %add3A_535 = arith.constant 192 : i32
    %add3A_536 = arith.addi %mul3A_2, %add3A_535 : i32
    %dma_start3A_537 = arith.constant 0 : i32
    %dma_start3A_538 = tpu.memref_slice %arg4[%add3A_536, %dma_start3A_537] : memref<8192x2048xf32, #tpu.memory_space<hbm>> -> memref<8x2048xf32, #tpu.memory_space<hbm>>
    %dma_start3A_539 = arith.constant 0 : i32
    %dma_start3A_540 = tpu.memref_slice %arg4[%add3A_536, %dma_start3A_539] : memref<8192x2048xf32, #tpu.memory_space<hbm>> -> memref<8x2048xf32, #tpu.memory_space<hbm>>
    tpu.enqueue_dma source(%arg9 : memref<8x2048xf32, #tpu.memory_space<vmem>>) target(%dma_start3A_540 : memref<8x2048xf32, #tpu.memory_space<hbm>>) target_semaphore(%arg23 : memref<!tpu.dma_semaphore, #tpu.memory_space<semaphore_mem>>)
    %dma_wait3A_541 = arith.constant 0 : i32
    %dma_wait3A_542 = tpu.memref_slice %arg4[%add3A_496, %dma_wait3A_541] : memref<8192x2048xf32, #tpu.memory_space<hbm>> -> memref<8x2048xf32, #tpu.memory_space<hbm>>
    %dma_wait3A_543 = arith.constant 0 : i32
    %dma_wait3A_544 = tpu.memref_slice %arg4[%add3A_496, %dma_wait3A_543] : memref<8192x2048xf32, #tpu.memory_space<hbm>> -> memref<8x2048xf32, #tpu.memory_space<hbm>>
    tpu.wait_dma2 semaphore(%arg21 : memref<!tpu.dma_semaphore, #tpu.memory_space<semaphore_mem>>) src(%arg7 : memref<8x2048xf32, #tpu.memory_space<vmem>>) dst(%dma_wait3A_544 : memref<8x2048xf32, #tpu.memory_space<hbm>>)
    %dma_start3A_545 = arith.constant 232 : i32
    %dma_start3A_546 = tpu.memref_slice %arg5[%dma_start3A_545] : memref<256xi32, #tpu.memory_space<vmem>> -> memref<8xi32, #tpu.memory_space<vmem>>
    %dma_start3A_547 = arith.constant 0 : i32
    %dma_start3A_548 = arith.constant 0 : i32
    %dma_start3A_549 = tpu.memref_slice %arg3[%dma_start3A_547, %dma_start3A_548] : memref<100000x2048xf32, #tpu.memory_space<hbm>> -> memref<100000x2048xf32, #tpu.memory_space<hbm>>
    tpu.enqueue_indirect_dma source(%dma_start3A_549 : memref<100000x2048xf32, #tpu.memory_space<hbm>>) target(%arg7 : memref<8x2048xf32, #tpu.memory_space<vmem>>) offsets(%dma_start3A_546 : memref<8xi32, #tpu.memory_space<vmem>>) semaphore(%arg14 : memref<!tpu.dma_semaphore, #tpu.memory_space<semaphore_mem>>)
    %dma_wait3A_550 = arith.constant 200 : i32
    %dma_wait3A_551 = tpu.memref_slice %arg5[%dma_wait3A_550] : memref<256xi32, #tpu.memory_space<vmem>> -> memref<8xi32, #tpu.memory_space<vmem>>
    %dma_wait3A_552 = arith.constant 0 : i32
    %dma_wait3A_553 = arith.constant 0 : i32
    %dma_wait3A_554 = tpu.memref_slice %arg3[%dma_wait3A_552, %dma_wait3A_553] : memref<100000x2048xf32, #tpu.memory_space<hbm>> -> memref<100000x2048xf32, #tpu.memory_space<hbm>>
    tpu.wait_indirect_dma semaphore(%arg17 : memref<!tpu.dma_semaphore, #tpu.memory_space<semaphore_mem>>) src(%dma_wait3A_554 : memref<100000x2048xf32, #tpu.memory_space<hbm>>) dst(%arg10 : memref<8x2048xf32, #tpu.memory_space<vmem>>)
    %add3A_555 = arith.constant 200 : i32
    %add3A_556 = arith.addi %mul3A_2, %add3A_555 : i32
    %dma_start3A_557 = arith.constant 0 : i32
    %dma_start3A_558 = tpu.memref_slice %arg4[%add3A_556, %dma_start3A_557] : memref<8192x2048xf32, #tpu.memory_space<hbm>> -> memref<8x2048xf32, #tpu.memory_space<hbm>>
    %dma_start3A_559 = arith.constant 0 : i32
    %dma_start3A_560 = tpu.memref_slice %arg4[%add3A_556, %dma_start3A_559] : memref<8192x2048xf32, #tpu.memory_space<hbm>> -> memref<8x2048xf32, #tpu.memory_space<hbm>>
    tpu.enqueue_dma source(%arg10 : memref<8x2048xf32, #tpu.memory_space<vmem>>) target(%dma_start3A_560 : memref<8x2048xf32, #tpu.memory_space<hbm>>) target_semaphore(%arg24 : memref<!tpu.dma_semaphore, #tpu.memory_space<semaphore_mem>>)
    %dma_wait3A_561 = arith.constant 0 : i32
    %dma_wait3A_562 = tpu.memref_slice %arg4[%add3A_516, %dma_wait3A_561] : memref<8192x2048xf32, #tpu.memory_space<hbm>> -> memref<8x2048xf32, #tpu.memory_space<hbm>>
    %dma_wait3A_563 = arith.constant 0 : i32
    %dma_wait3A_564 = tpu.memref_slice %arg4[%add3A_516, %dma_wait3A_563] : memref<8192x2048xf32, #tpu.memory_space<hbm>> -> memref<8x2048xf32, #tpu.memory_space<hbm>>
    tpu.wait_dma2 semaphore(%arg22 : memref<!tpu.dma_semaphore, #tpu.memory_space<semaphore_mem>>) src(%arg8 : memref<8x2048xf32, #tpu.memory_space<vmem>>) dst(%dma_wait3A_564 : memref<8x2048xf32, #tpu.memory_space<hbm>>)
    %dma_start3A_565 = arith.constant 240 : i32
    %dma_start3A_566 = tpu.memref_slice %arg5[%dma_start3A_565] : memref<256xi32, #tpu.memory_space<vmem>> -> memref<8xi32, #tpu.memory_space<vmem>>
    %dma_start3A_567 = arith.constant 0 : i32
    %dma_start3A_568 = arith.constant 0 : i32
    %dma_start3A_569 = tpu.memref_slice %arg3[%dma_start3A_567, %dma_start3A_568] : memref<100000x2048xf32, #tpu.memory_space<hbm>> -> memref<100000x2048xf32, #tpu.memory_space<hbm>>
    tpu.enqueue_indirect_dma source(%dma_start3A_569 : memref<100000x2048xf32, #tpu.memory_space<hbm>>) target(%arg8 : memref<8x2048xf32, #tpu.memory_space<vmem>>) offsets(%dma_start3A_566 : memref<8xi32, #tpu.memory_space<vmem>>) semaphore(%arg15 : memref<!tpu.dma_semaphore, #tpu.memory_space<semaphore_mem>>)
    %dma_wait3A_570 = arith.constant 208 : i32
    %dma_wait3A_571 = tpu.memref_slice %arg5[%dma_wait3A_570] : memref<256xi32, #tpu.memory_space<vmem>> -> memref<8xi32, #tpu.memory_space<vmem>>
    %dma_wait3A_572 = arith.constant 0 : i32
    %dma_wait3A_573 = arith.constant 0 : i32
    %dma_wait3A_574 = tpu.memref_slice %arg3[%dma_wait3A_572, %dma_wait3A_573] : memref<100000x2048xf32, #tpu.memory_space<hbm>> -> memref<100000x2048xf32, #tpu.memory_space<hbm>>
    tpu.wait_indirect_dma semaphore(%arg18 : memref<!tpu.dma_semaphore, #tpu.memory_space<semaphore_mem>>) src(%dma_wait3A_574 : memref<100000x2048xf32, #tpu.memory_space<hbm>>) dst(%arg11 : memref<8x2048xf32, #tpu.memory_space<vmem>>)
    %add3A_575 = arith.constant 208 : i32
    %add3A_576 = arith.addi %mul3A_2, %add3A_575 : i32
    %dma_start3A_577 = arith.constant 0 : i32
    %dma_start3A_578 = tpu.memref_slice %arg4[%add3A_576, %dma_start3A_577] : memref<8192x2048xf32, #tpu.memory_space<hbm>> -> memref<8x2048xf32, #tpu.memory_space<hbm>>
    %dma_start3A_579 = arith.constant 0 : i32
    %dma_start3A_580 = tpu.memref_slice %arg4[%add3A_576, %dma_start3A_579] : memref<8192x2048xf32, #tpu.memory_space<hbm>> -> memref<8x2048xf32, #tpu.memory_space<hbm>>
    tpu.enqueue_dma source(%arg11 : memref<8x2048xf32, #tpu.memory_space<vmem>>) target(%dma_start3A_580 : memref<8x2048xf32, #tpu.memory_space<hbm>>) target_semaphore(%arg25 : memref<!tpu.dma_semaphore, #tpu.memory_space<semaphore_mem>>)
    %dma_wait3A_581 = arith.constant 0 : i32
    %dma_wait3A_582 = tpu.memref_slice %arg4[%add3A_536, %dma_wait3A_581] : memref<8192x2048xf32, #tpu.memory_space<hbm>> -> memref<8x2048xf32, #tpu.memory_space<hbm>>
    %dma_wait3A_583 = arith.constant 0 : i32
    %dma_wait3A_584 = tpu.memref_slice %arg4[%add3A_536, %dma_wait3A_583] : memref<8192x2048xf32, #tpu.memory_space<hbm>> -> memref<8x2048xf32, #tpu.memory_space<hbm>>
    tpu.wait_dma2 semaphore(%arg23 : memref<!tpu.dma_semaphore, #tpu.memory_space<semaphore_mem>>) src(%arg9 : memref<8x2048xf32, #tpu.memory_space<vmem>>) dst(%dma_wait3A_584 : memref<8x2048xf32, #tpu.memory_space<hbm>>)
    %dma_start3A_585 = arith.constant 248 : i32
    %dma_start3A_586 = tpu.memref_slice %arg5[%dma_start3A_585] : memref<256xi32, #tpu.memory_space<vmem>> -> memref<8xi32, #tpu.memory_space<vmem>>
    %dma_start3A_587 = arith.constant 0 : i32
    %dma_start3A_588 = arith.constant 0 : i32
    %dma_start3A_589 = tpu.memref_slice %arg3[%dma_start3A_587, %dma_start3A_588] : memref<100000x2048xf32, #tpu.memory_space<hbm>> -> memref<100000x2048xf32, #tpu.memory_space<hbm>>
    tpu.enqueue_indirect_dma source(%dma_start3A_589 : memref<100000x2048xf32, #tpu.memory_space<hbm>>) target(%arg9 : memref<8x2048xf32, #tpu.memory_space<vmem>>) offsets(%dma_start3A_586 : memref<8xi32, #tpu.memory_space<vmem>>) semaphore(%arg16 : memref<!tpu.dma_semaphore, #tpu.memory_space<semaphore_mem>>)
    %dma_wait3A_590 = arith.constant 216 : i32
    %dma_wait3A_591 = tpu.memref_slice %arg5[%dma_wait3A_590] : memref<256xi32, #tpu.memory_space<vmem>> -> memref<8xi32, #tpu.memory_space<vmem>>
    %dma_wait3A_592 = arith.constant 0 : i32
    %dma_wait3A_593 = arith.constant 0 : i32
    %dma_wait3A_594 = tpu.memref_slice %arg3[%dma_wait3A_592, %dma_wait3A_593] : memref<100000x2048xf32, #tpu.memory_space<hbm>> -> memref<100000x2048xf32, #tpu.memory_space<hbm>>
    tpu.wait_indirect_dma semaphore(%arg19 : memref<!tpu.dma_semaphore, #tpu.memory_space<semaphore_mem>>) src(%dma_wait3A_594 : memref<100000x2048xf32, #tpu.memory_space<hbm>>) dst(%arg12 : memref<8x2048xf32, #tpu.memory_space<vmem>>)
    %add3A_595 = arith.constant 216 : i32
    %add3A_596 = arith.addi %mul3A_2, %add3A_595 : i32
    %dma_start3A_597 = arith.constant 0 : i32
    %dma_start3A_598 = tpu.memref_slice %arg4[%add3A_596, %dma_start3A_597] : memref<8192x2048xf32, #tpu.memory_space<hbm>> -> memref<8x2048xf32, #tpu.memory_space<hbm>>
    %dma_start3A_599 = arith.constant 0 : i32
    %dma_start3A_600 = tpu.memref_slice %arg4[%add3A_596, %dma_start3A_599] : memref<8192x2048xf32, #tpu.memory_space<hbm>> -> memref<8x2048xf32, #tpu.memory_space<hbm>>
    tpu.enqueue_dma source(%arg12 : memref<8x2048xf32, #tpu.memory_space<vmem>>) target(%dma_start3A_600 : memref<8x2048xf32, #tpu.memory_space<hbm>>) target_semaphore(%arg26 : memref<!tpu.dma_semaphore, #tpu.memory_space<semaphore_mem>>)
    %dma_wait3A_601 = arith.constant 224 : i32
    %dma_wait3A_602 = tpu.memref_slice %arg5[%dma_wait3A_601] : memref<256xi32, #tpu.memory_space<vmem>> -> memref<8xi32, #tpu.memory_space<vmem>>
    %dma_wait3A_603 = arith.constant 0 : i32
    %dma_wait3A_604 = arith.constant 0 : i32
    %dma_wait3A_605 = tpu.memref_slice %arg3[%dma_wait3A_603, %dma_wait3A_604] : memref<100000x2048xf32, #tpu.memory_space<hbm>> -> memref<100000x2048xf32, #tpu.memory_space<hbm>>
    tpu.wait_indirect_dma semaphore(%arg13 : memref<!tpu.dma_semaphore, #tpu.memory_space<semaphore_mem>>) src(%dma_wait3A_605 : memref<100000x2048xf32, #tpu.memory_space<hbm>>) dst(%arg6 : memref<8x2048xf32, #tpu.memory_space<vmem>>)
    %add3A_606 = arith.constant 224 : i32
    %add3A_607 = arith.addi %mul3A_2, %add3A_606 : i32
    %dma_start3A_608 = arith.constant 0 : i32
    %dma_start3A_609 = tpu.memref_slice %arg4[%add3A_607, %dma_start3A_608] : memref<8192x2048xf32, #tpu.memory_space<hbm>> -> memref<8x2048xf32, #tpu.memory_space<hbm>>
    %dma_start3A_610 = arith.constant 0 : i32
    %dma_start3A_611 = tpu.memref_slice %arg4[%add3A_607, %dma_start3A_610] : memref<8192x2048xf32, #tpu.memory_space<hbm>> -> memref<8x2048xf32, #tpu.memory_space<hbm>>
    tpu.enqueue_dma source(%arg6 : memref<8x2048xf32, #tpu.memory_space<vmem>>) target(%dma_start3A_611 : memref<8x2048xf32, #tpu.memory_space<hbm>>) target_semaphore(%arg20 : memref<!tpu.dma_semaphore, #tpu.memory_space<semaphore_mem>>)
    %dma_wait3A_612 = arith.constant 232 : i32
    %dma_wait3A_613 = tpu.memref_slice %arg5[%dma_wait3A_612] : memref<256xi32, #tpu.memory_space<vmem>> -> memref<8xi32, #tpu.memory_space<vmem>>
    %dma_wait3A_614 = arith.constant 0 : i32
    %dma_wait3A_615 = arith.constant 0 : i32
    %dma_wait3A_616 = tpu.memref_slice %arg3[%dma_wait3A_614, %dma_wait3A_615] : memref<100000x2048xf32, #tpu.memory_space<hbm>> -> memref<100000x2048xf32, #tpu.memory_space<hbm>>
    tpu.wait_indirect_dma semaphore(%arg14 : memref<!tpu.dma_semaphore, #tpu.memory_space<semaphore_mem>>) src(%dma_wait3A_616 : memref<100000x2048xf32, #tpu.memory_space<hbm>>) dst(%arg7 : memref<8x2048xf32, #tpu.memory_space<vmem>>)
    %add3A_617 = arith.constant 232 : i32
    %add3A_618 = arith.addi %mul3A_2, %add3A_617 : i32
    %dma_start3A_619 = arith.constant 0 : i32
    %dma_start3A_620 = tpu.memref_slice %arg4[%add3A_618, %dma_start3A_619] : memref<8192x2048xf32, #tpu.memory_space<hbm>> -> memref<8x2048xf32, #tpu.memory_space<hbm>>
    %dma_start3A_621 = arith.constant 0 : i32
    %dma_start3A_622 = tpu.memref_slice %arg4[%add3A_618, %dma_start3A_621] : memref<8192x2048xf32, #tpu.memory_space<hbm>> -> memref<8x2048xf32, #tpu.memory_space<hbm>>
    tpu.enqueue_dma source(%arg7 : memref<8x2048xf32, #tpu.memory_space<vmem>>) target(%dma_start3A_622 : memref<8x2048xf32, #tpu.memory_space<hbm>>) target_semaphore(%arg21 : memref<!tpu.dma_semaphore, #tpu.memory_space<semaphore_mem>>)
    %dma_wait3A_623 = arith.constant 240 : i32
    %dma_wait3A_624 = tpu.memref_slice %arg5[%dma_wait3A_623] : memref<256xi32, #tpu.memory_space<vmem>> -> memref<8xi32, #tpu.memory_space<vmem>>
    %dma_wait3A_625 = arith.constant 0 : i32
    %dma_wait3A_626 = arith.constant 0 : i32
    %dma_wait3A_627 = tpu.memref_slice %arg3[%dma_wait3A_625, %dma_wait3A_626] : memref<100000x2048xf32, #tpu.memory_space<hbm>> -> memref<100000x2048xf32, #tpu.memory_space<hbm>>
    tpu.wait_indirect_dma semaphore(%arg15 : memref<!tpu.dma_semaphore, #tpu.memory_space<semaphore_mem>>) src(%dma_wait3A_627 : memref<100000x2048xf32, #tpu.memory_space<hbm>>) dst(%arg8 : memref<8x2048xf32, #tpu.memory_space<vmem>>)
    %add3A_628 = arith.constant 240 : i32
    %add3A_629 = arith.addi %mul3A_2, %add3A_628 : i32
    %dma_start3A_630 = arith.constant 0 : i32
    %dma_start3A_631 = tpu.memref_slice %arg4[%add3A_629, %dma_start3A_630] : memref<8192x2048xf32, #tpu.memory_space<hbm>> -> memref<8x2048xf32, #tpu.memory_space<hbm>>
    %dma_start3A_632 = arith.constant 0 : i32
    %dma_start3A_633 = tpu.memref_slice %arg4[%add3A_629, %dma_start3A_632] : memref<8192x2048xf32, #tpu.memory_space<hbm>> -> memref<8x2048xf32, #tpu.memory_space<hbm>>
    tpu.enqueue_dma source(%arg8 : memref<8x2048xf32, #tpu.memory_space<vmem>>) target(%dma_start3A_633 : memref<8x2048xf32, #tpu.memory_space<hbm>>) target_semaphore(%arg22 : memref<!tpu.dma_semaphore, #tpu.memory_space<semaphore_mem>>)
    %dma_wait3A_634 = arith.constant 248 : i32
    %dma_wait3A_635 = tpu.memref_slice %arg5[%dma_wait3A_634] : memref<256xi32, #tpu.memory_space<vmem>> -> memref<8xi32, #tpu.memory_space<vmem>>
    %dma_wait3A_636 = arith.constant 0 : i32
    %dma_wait3A_637 = arith.constant 0 : i32
    %dma_wait3A_638 = tpu.memref_slice %arg3[%dma_wait3A_636, %dma_wait3A_637] : memref<100000x2048xf32, #tpu.memory_space<hbm>> -> memref<100000x2048xf32, #tpu.memory_space<hbm>>
    tpu.wait_indirect_dma semaphore(%arg16 : memref<!tpu.dma_semaphore, #tpu.memory_space<semaphore_mem>>) src(%dma_wait3A_638 : memref<100000x2048xf32, #tpu.memory_space<hbm>>) dst(%arg9 : memref<8x2048xf32, #tpu.memory_space<vmem>>)
    %add3A_639 = arith.constant 248 : i32
    %add3A_640 = arith.addi %mul3A_2, %add3A_639 : i32
    %dma_start3A_641 = arith.constant 0 : i32
    %dma_start3A_642 = tpu.memref_slice %arg4[%add3A_640, %dma_start3A_641] : memref<8192x2048xf32, #tpu.memory_space<hbm>> -> memref<8x2048xf32, #tpu.memory_space<hbm>>
    %dma_start3A_643 = arith.constant 0 : i32
    %dma_start3A_644 = tpu.memref_slice %arg4[%add3A_640, %dma_start3A_643] : memref<8192x2048xf32, #tpu.memory_space<hbm>> -> memref<8x2048xf32, #tpu.memory_space<hbm>>
    tpu.enqueue_dma source(%arg9 : memref<8x2048xf32, #tpu.memory_space<vmem>>) target(%dma_start3A_644 : memref<8x2048xf32, #tpu.memory_space<hbm>>) target_semaphore(%arg23 : memref<!tpu.dma_semaphore, #tpu.memory_space<semaphore_mem>>)
    %dma_wait3A_645 = arith.constant 0 : i32
    %dma_wait3A_646 = tpu.memref_slice %arg4[%add3A_556, %dma_wait3A_645] : memref<8192x2048xf32, #tpu.memory_space<hbm>> -> memref<8x2048xf32, #tpu.memory_space<hbm>>
    %dma_wait3A_647 = arith.constant 0 : i32
    %dma_wait3A_648 = tpu.memref_slice %arg4[%add3A_556, %dma_wait3A_647] : memref<8192x2048xf32, #tpu.memory_space<hbm>> -> memref<8x2048xf32, #tpu.memory_space<hbm>>
    tpu.wait_dma2 semaphore(%arg24 : memref<!tpu.dma_semaphore, #tpu.memory_space<semaphore_mem>>) src(%arg10 : memref<8x2048xf32, #tpu.memory_space<vmem>>) dst(%dma_wait3A_648 : memref<8x2048xf32, #tpu.memory_space<hbm>>)
    %dma_wait3A_649 = arith.constant 0 : i32
    %dma_wait3A_650 = tpu.memref_slice %arg4[%add3A_576, %dma_wait3A_649] : memref<8192x2048xf32, #tpu.memory_space<hbm>> -> memref<8x2048xf32, #tpu.memory_space<hbm>>
    %dma_wait3A_651 = arith.constant 0 : i32
    %dma_wait3A_652 = tpu.memref_slice %arg4[%add3A_576, %dma_wait3A_651] : memref<8192x2048xf32, #tpu.memory_space<hbm>> -> memref<8x2048xf32, #tpu.memory_space<hbm>>
    tpu.wait_dma2 semaphore(%arg25 : memref<!tpu.dma_semaphore, #tpu.memory_space<semaphore_mem>>) src(%arg11 : memref<8x2048xf32, #tpu.memory_space<vmem>>) dst(%dma_wait3A_652 : memref<8x2048xf32, #tpu.memory_space<hbm>>)
    %dma_wait3A_653 = arith.constant 0 : i32
    %dma_wait3A_654 = tpu.memref_slice %arg4[%add3A_596, %dma_wait3A_653] : memref<8192x2048xf32, #tpu.memory_space<hbm>> -> memref<8x2048xf32, #tpu.memory_space<hbm>>
    %dma_wait3A_655 = arith.constant 0 : i32
    %dma_wait3A_656 = tpu.memref_slice %arg4[%add3A_596, %dma_wait3A_655] : memref<8192x2048xf32, #tpu.memory_space<hbm>> -> memref<8x2048xf32, #tpu.memory_space<hbm>>
    tpu.wait_dma2 semaphore(%arg26 : memref<!tpu.dma_semaphore, #tpu.memory_space<semaphore_mem>>) src(%arg12 : memref<8x2048xf32, #tpu.memory_space<vmem>>) dst(%dma_wait3A_656 : memref<8x2048xf32, #tpu.memory_space<hbm>>)
    %dma_wait3A_657 = arith.constant 0 : i32
    %dma_wait3A_658 = tpu.memref_slice %arg4[%add3A_607, %dma_wait3A_657] : memref<8192x2048xf32, #tpu.memory_space<hbm>> -> memref<8x2048xf32, #tpu.memory_space<hbm>>
    %dma_wait3A_659 = arith.constant 0 : i32
    %dma_wait3A_660 = tpu.memref_slice %arg4[%add3A_607, %dma_wait3A_659] : memref<8192x2048xf32, #tpu.memory_space<hbm>> -> memref<8x2048xf32, #tpu.memory_space<hbm>>
    tpu.wait_dma2 semaphore(%arg20 : memref<!tpu.dma_semaphore, #tpu.memory_space<semaphore_mem>>) src(%arg6 : memref<8x2048xf32, #tpu.memory_space<vmem>>) dst(%dma_wait3A_660 : memref<8x2048xf32, #tpu.memory_space<hbm>>)
    %dma_wait3A_661 = arith.constant 0 : i32
    %dma_wait3A_662 = tpu.memref_slice %arg4[%add3A_618, %dma_wait3A_661] : memref<8192x2048xf32, #tpu.memory_space<hbm>> -> memref<8x2048xf32, #tpu.memory_space<hbm>>
    %dma_wait3A_663 = arith.constant 0 : i32
    %dma_wait3A_664 = tpu.memref_slice %arg4[%add3A_618, %dma_wait3A_663] : memref<8192x2048xf32, #tpu.memory_space<hbm>> -> memref<8x2048xf32, #tpu.memory_space<hbm>>
    tpu.wait_dma2 semaphore(%arg21 : memref<!tpu.dma_semaphore, #tpu.memory_space<semaphore_mem>>) src(%arg7 : memref<8x2048xf32, #tpu.memory_space<vmem>>) dst(%dma_wait3A_664 : memref<8x2048xf32, #tpu.memory_space<hbm>>)
    %dma_wait3A_665 = arith.constant 0 : i32
    %dma_wait3A_666 = tpu.memref_slice %arg4[%add3A_629, %dma_wait3A_665] : memref<8192x2048xf32, #tpu.memory_space<hbm>> -> memref<8x2048xf32, #tpu.memory_space<hbm>>
    %dma_wait3A_667 = arith.constant 0 : i32
    %dma_wait3A_668 = tpu.memref_slice %arg4[%add3A_629, %dma_wait3A_667] : memref<8192x2048xf32, #tpu.memory_space<hbm>> -> memref<8x2048xf32, #tpu.memory_space<hbm>>
    tpu.wait_dma2 semaphore(%arg22 : memref<!tpu.dma_semaphore, #tpu.memory_space<semaphore_mem>>) src(%arg8 : memref<8x2048xf32, #tpu.memory_space<vmem>>) dst(%dma_wait3A_668 : memref<8x2048xf32, #tpu.memory_space<hbm>>)
    %dma_wait3A_669 = arith.constant 0 : i32
    %dma_wait3A_670 = tpu.memref_slice %arg4[%add3A_640, %dma_wait3A_669] : memref<8192x2048xf32, #tpu.memory_space<hbm>> -> memref<8x2048xf32, #tpu.memory_space<hbm>>
    %dma_wait3A_671 = arith.constant 0 : i32
    %dma_wait3A_672 = tpu.memref_slice %arg4[%add3A_640, %dma_wait3A_671] : memref<8192x2048xf32, #tpu.memory_space<hbm>> -> memref<8x2048xf32, #tpu.memory_space<hbm>>
    tpu.wait_dma2 semaphore(%arg23 : memref<!tpu.dma_semaphore, #tpu.memory_space<semaphore_mem>>) src(%arg9 : memref<8x2048xf32, #tpu.memory_space<vmem>>) dst(%dma_wait3A_672 : memref<8x2048xf32, #tpu.memory_space<hbm>>)
    return
  }
}

</mosaic_0001>

<sc_bundles>
// kernel: kernel.3.cloned.1.call-start
scs
__scs_entry_jumppad:
0x0: {  	(pc) =	sbr.rel $0x88, $3  }
0x1: {  	(tag) =	ssettag $0x0;
	lr =	simm.s32 $0x1  }
0x2: {  	[smem:$0x3F9F] =	sst lr;
	_ =	strace $0xD0000000  }
0x3: {  	_ = 	snop  }
0x4: {  	_ = 	snop  }
0x5: {  	_ = 	snop  }
0x6: {  	_ = 	snop  }
0x7: {  	_ = 	snop  }
__scs_overlays_trampoline_lowered:
0x8: {  	[smem:$0x3FAE] =	sst s0  }
0x9: {  	[smem:$0x3FAF] =	sst s1  }
0xa: {  	[smem:$0x3FB0] =	sst s2  }
0xb: {  	[smem:$0x3FB1] =	sst s3  }
0xc: {  	[smem:$0x3FB2] =	sst s4  }
0xd: {  	[smem:$0x3FB3] =	sst s5  }
0xe: {  	[smem:$0x3FB4] =	sst s6  }
0xf: {  	[smem:$0x3FB5] =	sst s7  }
0x10: {  	[smem:$0x3FB6] =	sst s8  }
0x11: {  	[smem:$0x3FB7] =	sst s9;
	s0 =	simm.s32 @!p0 $0x0  }
0x12: {  	s1 =	sld [smem:$0x3F9D];
	s0 =	simm.s32 @p0 $0x1  }
0x13: {  	[smem:$0x3FB8] =	sst s0;
	s0 =	simm.s32 @!p1 $0x0  }
0x14: {  	s2 =	sld [smem:$0x3F9C];
	s0 =	simm.s32 @p1 $0x1  }
0x15: {  	[smem:$0x3FB9] =	sst s0;
	s0 =	simm.s32 @!p2 $0x0  }
0x16: {  	s3 =	sld [smem:$0x3FDB];
	s0 =	simm.s32 @p2 $0x1  }
0x17: {  	s4 =	simm.s32 $0x1BF5;
	[smem:$0x3FBB] =	sst s0  }
0x18: {  	s0 =	sld [smem:$0x3F9E];
	_ =	swait.ge [sflag:s4], $0x0  }
0x19: {  	s7 =	sld [smem:$0x3F9F]  }
0x1a: {  	s8 =	sadd.s32 $0xFFFFE003, lr  }
0x1b: {  	s9 =	sadd.s32 $0xFFFFFEF7, lr;
	s5 =	simm.s32 $0xFFFFFFFF;
	p2 =	slt.u32 s8, $0xFFFFF086  }
0x1c: {  	p1 =	slt.u32 s9, $0xF7A;
	s5 =	simm.s32 @!p2 $0x0  }
0x1d: {  	s5 =	simm.s32 @p1 $0x1;
	p0 =	seq.s32 s7, s2  }
0x1e: {  	s7 =	smul.u32 @!p0 $0xF7A, s2;
	p2 =	seq.s32 @!p0 s5, $0x0  }
0x1f: {  	s9 =	smul.u32 $0xF7A, s1;
	s8 =	simm.s32 @!p0 $0x1BF5;
	p2 =	por !p2, p0  }
0x20: {  	[sflag:s8] =	ssyncset.s32 @!p0 $0xFFFFF086;
	s6 =	sadd.s32 @!p0 s3, s7;
	s7 =	simm.s32 @!p0 $0x108  }
0x21: {  	s3 =	sadd.s32 s3, s9;
	s6 =	sadd.s32 @!p0 $0x88, s6;
	s7 =	simm.s32 @p2 $0x1082  }
0x22: {  	[simem:s7], [sflag:s8] =	dma.local @!p0 [hbm:s6], $0xF7A  }
0x23: {  	s9 =	sor.u32 $0xD0000000, s2;
	s6 =	simm.s32 $0x108;
	_ =	swait.ge @!p0 [sflag:s8], $0x0  }
0x24: {  	s3 =	sadd.s32 $0x88, s3;
	s6 =	simm.s32 @!p1 $0x1082;
	[sflag:s4] =	ssyncset.s32 $0xFFFFF086  }
0x25: {  	[simem:s6], [sflag:s4] =	dma.local [hbm:s3], $0xF7A  }
0x26: {  	[smem:$0x3F9F] =	sst s1;
	(tag) =	ssettag s2;
	_ =	strace s9  }
0x27: {  	s1 =	sld [smem:$0x3FAF]  }
0x28: {  	s2 =	sld [smem:$0x3FB0]  }
0x29: {  	s4 =	sld [smem:$0x3FB2]  }
0x2a: {  	p0 =	seq.s32 s5, $0x0;
	s5 =	sld [smem:$0x3FB3]  }
0x2b: {  	s6 =	sld [smem:$0x3FB4]  }
0x2c: {  	s7 =	sld [smem:$0x3FB5]  }
0x2d: {  	s3 =	simm.s32 $0x108;
	s8 =	sld [smem:$0x3FB6]  }
0x2e: {  	s3 =	simm.s32 @!p0 $0x1082;
	s9 =	sld [smem:$0x3FB7]  }
0x2f: {  	lr =	sadd.s32 s0, s3;
	s0 =	sld [smem:$0x3FAE]  }
0x30: {  	s3 =	sld [smem:$0x3FB1]  }
0x31: {  	[smem:$0x3FBA] =	sst s10  }
0x32: {  	s10 =	sld [smem:$0x3FB8];
	_ =	sdelay $0x3  }
0x33: {  	p0 =	seq.s32 s10, $0x1;
	s10 =	sld [smem:$0x3FBA];
	_ =	sdelay $0x3  }
0x34: {  	[smem:$0x3FBA] =	sst s10  }
0x35: {  	s10 =	sld [smem:$0x3FB9];
	_ =	sdelay $0x3  }
0x36: {  	p1 =	seq.s32 s10, $0x1;
	s10 =	sld [smem:$0x3FBA];
	_ =	sdelay $0x3  }
0x37: {  	[smem:$0x3FBA] =	sst s10  }
0x38: {  	s10 =	sld [smem:$0x3FBB]  }
0x39: {  	_ = 	snop;
	(pc) =	sbr.ind lr, $3  }
0x3a: {  	_ = 	snop  }
0x3b: {  	_ = 	snop  }
0x3c: {  	p2 =	seq.s32 s10, $0x1;
	s10 =	sld [smem:$0x3FBA]  }
0x3d: {  	_ =	shalt  }
0x3e: {  	_ =	shalt  }
0x3f: {  	_ =	shalt  }
0x40: {  	_ =	shalt  }
0x41: {  	_ =	shalt  }
0x42: {  	_ =	shalt  }
0x43: {  	_ =	shalt  }
0x44: {  	_ =	shalt  }
0x45: {  	_ =	shalt  }
0x46: {  	_ =	shalt  }
0x47: {  	_ =	shalt  }
0x48: {  	_ =	shalt  }
0x49: {  	_ =	shalt  }
0x4a: {  	_ =	shalt  }
0x4b: {  	_ =	shalt  }
0x4c: {  	_ =	shalt  }
0x4d: {  	_ =	shalt  }
0x4e: {  	_ =	shalt  }
0x4f: {  	_ =	shalt  }
0x50: {  	_ =	shalt  }
0x51: {  	_ =	shalt  }
0x52: {  	_ =	shalt  }
0x53: {  	_ =	shalt  }
0x54: {  	_ =	shalt  }
0x55: {  	_ =	shalt  }
0x56: {  	_ =	shalt  }
0x57: {  	_ =	shalt  }
0x58: {  	_ =	shalt  }
0x59: {  	_ =	shalt  }
0x5a: {  	_ =	shalt  }
0x5b: {  	_ =	shalt  }
0x5c: {  	_ =	shalt  }
0x5d: {  	_ =	shalt  }
0x5e: {  	_ =	shalt  }
0x5f: {  	_ =	shalt  }
0x60: {  	_ =	shalt  }
0x61: {  	_ =	shalt  }
0x62: {  	_ =	shalt  }
0x63: {  	_ =	shalt  }
0x64: {  	_ =	shalt  }
0x65: {  	_ =	shalt  }
0x66: {  	_ =	shalt  }
0x67: {  	_ =	shalt  }
0x68: {  	_ =	shalt  }
0x69: {  	_ =	shalt  }
0x6a: {  	_ =	shalt  }
0x6b: {  	_ =	shalt  }
0x6c: {  	_ =	shalt  }
0x6d: {  	_ =	shalt  }
0x6e: {  	_ =	shalt  }
0x6f: {  	_ =	shalt  }
0x70: {  	_ =	shalt  }
0x71: {  	_ =	shalt  }
0x72: {  	_ =	shalt  }
0x73: {  	_ =	shalt  }
0x74: {  	_ =	shalt  }
0x75: {  	_ =	shalt  }
0x76: {  	_ =	shalt  }
0x77: {  	_ =	shalt  }
0x78: {  	_ =	shalt  }
0x79: {  	_ =	shalt  }
0x7a: {  	_ =	shalt  }
0x7b: {  	_ =	shalt  }
0x7c: {  	_ =	shalt  }
0x7d: {  	_ =	shalt  }
0x7e: {  	_ =	shalt  }
0x7f: {  	_ =	shalt  }
0x80: {  	_ =	shalt  }
0x81: {  	_ =	shalt  }
0x82: {  	_ =	shalt  }
0x83: {  	_ =	shalt  }
0x84: {  	_ =	shalt  }
0x85: {  	_ =	shalt  }
0x86: {  	_ =	shalt  }
0x87: {  	_ =	shalt  }
.Lfunc_end0:
.L_simem_size_0:
called_computation_lowered:
.L_overlay_start_0:
0x88: {  	s2 =	sld [smem:$0x3FD9]  }
0x89: {  	s3 =	sld [smem:$0x3FFE];
	_ =	sdelay $0x1  }
0x8a: {  	s1 =	srdreg.scid  }
0x8b: {  	s0 =	sand.u32 $0x1, s1  }
0x8c: {  	s18 =	sshll.u32 s0, $0xA;
	s2 =	sadd.s32 s3, s2  }
0x8d: {  	s2 =	sadd.s32 s2, s18  }
0x8e: {  	[smem:$0x3FC6] =	sst s2  }
0x8f: {  	_ = 	snop  }
0x90: {  	s2 =	sld [smem:$0x3FC9]  }
0x91: {  	s19 =	sld [smem:$0x3FC8]  }
0x92: {  	s4 =	sld [smem:$0x3FD0];
	(tm) =	ssettm $0x1  }
0x93: {  	s5 =	sld [smem:$0x3FFB];
	_ =	sdelay $0x3  }
0x94: {  	_ =	strace s5  }
0x95: {  	s5 =	sld [smem:$0x3FFC];
	_ =	sdelay $0x3  }
0x96: {  	_ =	strace s5  }
0x97: {  	s5 =	sld [smem:$0x3FFD];
	_ =	sdelay $0x3  }
0x98: {  	_ =	strace s5  }
0x99: {  	_ =	strace $0x8FFFFFFF  }
0x9a: {  	s20 =	sld [smem:$0x3FDB];
	_ =	sdelay $0x1  }
0x9b: {  	s6 =	simm.s32 $_scs_section_size  }
0x9c: {  	s7 =	simm.s32 $_size__tile_overlayer_lowered;
	s8 =	simm.s32 $_tile_overlayer_lowered  }
0x9d: {  	s23 =	simm.s32 $0x1BFF;
	s22 =	sshll.u32 s8, $0x1;
	s5 =	sadd.s32 s6, s20  }
0x9e: {  	s9 =	simm.s32 $0x0;
	s21 =	sshll.u32 s7, $0x1;
	s7 =	sadd.s32 s22, s5  }
0x9f: {  	[timem:s9], [sflag:s23] =	dma.local [hbm:s7], s21  }
0xa0: {  	_ =	swait.ge [sflag:s23], s21  }
0xa1: {  	s6 =	ssub.s32 $0x0, s21;
	[sflag:s23] =	ssyncset.done $0x0  }
0xa2: {  	[sflag:s23] =	ssyncadd.s32 s6;
	_ =	sdelay $0x1  }
0xa3: {  	s24 =	simm.s32 $0x1B8B  }
0xa4: {  	_ =	swait.ge [sflag:s24], $0x1  }
0xa5: {  	[sflag:s24] =	ssyncset.done $0x0  }
0xa6: {  	s25 =	simm.s32 $0x1B8E;
	[sflag:s24] =	ssyncadd.s32 $0xFFFFFFFF  }
0xa7: {  	s26 =	simm.s32 $execute0_lowered;
	[smem:$0x3FD2] =	sst s25  }
0xa8: {  	s6 =	sshll.u32 s26, $0x1;
	_ =	strace $0x80000046;
	[dreg:$0x1] =	wrdreg $0xFFFFFFFF  }
0xa9: {  	s28 =	simm.s32 $_size_execute0_lowered;
	s5 =	sadd.s32 s5, s6;
	[dreg:$0x0] =	wrdreg $0x0  }
0xaa: {  	s6 =	sshll.u32 s28, $0x1;
	[dreg:$0x2] =	wrdreg s5  }
0xab: {  	[dreg:$0x3] =	wrdreg s6  }
0xac: {  	[dreg:$0x4] =	wrdreg $0xC0  }
0xad: {  	_ =	task [dreg:s9], $0x5FFFF  }
0xae: {  	[dreg:$0x1] =	wrdreg $0xFFFFFFFF  }
0xaf: {  	[dreg:$0x0] =	wrdreg $0x60  }
0xb0: {  	[dreg:$0x2] =	wrdreg s2  }
0xb1: {  	[dreg:$0x3] =	wrdreg s19  }
0xb2: {  	[dreg:$0x4] =	wrdreg s4  }
0xb3: {  	[dreg:$0x5] =	wrdreg $0x9  }
0xb4: {  	_ =	task.clear_ibuf [dreg:s9], $0x6FFFF;
	_ =	strace $0x90000046  }
0xb5: {  	s29 =	simm.s32 $0x9;
	_ =	strace $0x80000048  }
0xb6: {  	_ =	swait.ge [sflag:s29], $0x1  }
0xb7: {  	[sflag:s29] =	ssyncadd.s32 $0xFFFFFFFF  }
0xb8: {  	_ =	strace $0x90000048  }
0xb9: {  	_ =	sfence  }
0xba: {  	s30 =	sld [smem:$0x0];
	_ =	sdelay $0x2  }
0xbb: {  	s31 =	sshll.u32 s1, $0xD;
	s1 =	sshrl.u32 s1, $0x2  }
0xbc: {  	s3 =	sand.u32 $0x4000, s31;
	s1 =	sadd.s32 s1, s30  }
0xbd: {  	s0 =	sor.u32 s3, s0;
	s1 =	sshll.u32 s1, $0x11  }
0xbe: {  	s0 =	sor.u32 s1, s0  }
0xbf: {  	s0 =	sadd.s32 $0x8F2B, s0  }
0xc0: {  	[sflag:s0] =	ssyncadd.remote.s32 $0x1  }
0xc1: {  	_ =	sfence.sel $0xFFFF  }
0xc2: {  	[dreg:$0x0] =	wrdreg $0xFFFFFFFF;
	(pc) =	sbr.abs _section_cstart, $3  }
0xc3: {  	[dreg:$0x1] =	wrdreg $0xFFFFFFFF  }
0xc4: {  	_ =	task.clear_ibuf [dreg:s9], $0x2FFFF;
	_ =	strace $0x9FFFFFFF  }
0xc5: {  	(tm) =	ssettm $0x7FFFFFFF  }
tec
execute0_lowered:
.L_overlay_start_1:
0x0: {  	(tag) =	ssettag $0x1  }
0x1: {  	s0 =	rddreg [dreg:$0x0]  }
0x2: {  	s2 =	rddreg [dreg:$0x1]  }
0x3: {  	s1 =	rddreg [dreg:$0x2]  }
0x4: {  	s3 =	srdreg.scid;
	s6 =	stileid.u32  }
0x5: {  	s4 =	sand.u32 $0x1, s3;
	s5 =	sshll.u32 s6, $0x1;
	s3 =	simm.s32 $0x0  }
0x6: {  	s6 =	sshll.u32 s6, $0x2;
	s5 =	sor.u32 s4, s5;
	[smem:$0x7FF] =	sst s3  }
0x7: {  	s6 =	sand.u32 $0x30, s6;
	s7 =	sshll.u32 s5, $0x7;
	s5 =	sshll.u32 s5, $0x10  }
0x8: {  	s0 =	sadd.s32 s0, s6;
	s7 =	sand.u32 $0x380, s7;
	s11 =	sadd.s32 s1, s5  }
0x9: {  	_ =	strace $0x80000047;
	s0 =	sadd.s32 s7, s0;
	[smem:$0x7FA] =	sst s11  }
0xa: {  	s23 =	sadd.s32 $0x800, s11;
	[dreg:$0x4] =	wrdreg s0  }
0xb: {  	s24 =	sadd.s32 $0x1000, s11;
	[dreg:$0x5] =	wrdreg s23  }
0xc: {  	s25 =	sadd.s32 $0x1800, s11;
	[dreg:$0x6] =	wrdreg s24  }
0xd: {  	s26 =	sadd.s32 $0x2000, s11;
	[dreg:$0x7] =	wrdreg s25  }
0xe: {  	s28 =	sadd.s32 $0x2800, s11;
	[dreg:$0x8] =	wrdreg s26  }
0xf: {  	s29 =	sadd.s32 $0x3000, s11;
	[dreg:$0x9] =	wrdreg s28  }
0x10: {  	s30 =	sadd.s32 $0x3800, s11;
	[dreg:$0xa] =	wrdreg s29  }
0x11: {  	s31 =	sadd.s32 $0x4000, s11;
	[dreg:$0xb] =	wrdreg s30  }
0x12: {  	s1 =	sadd.s32 $0x4800, s11;
	[dreg:$0xc] =	wrdreg s31  }
0x13: {  	s5 =	sadd.s32 $0x5000, s11;
	[dreg:$0xd] =	wrdreg s1  }
0x14: {  	s6 =	sadd.s32 $0x5800, s11;
	[dreg:$0xe] =	wrdreg s5  }
0x15: {  	s7 =	sadd.s32 $0x6000, s11;
	[dreg:$0xf] =	wrdreg s6  }
0x16: {  	s8 =	sadd.s32 $0x6800, s11;
	[dreg:$0x10] =	wrdreg s7  }
0x17: {  	s9 =	sadd.s32 $0x7000, s11;
	[dreg:$0x11] =	wrdreg s8  }
0x18: {  	s10 =	sadd.s32 $0x7800, s11;
	[dreg:$0x12] =	wrdreg s9  }
0x19: {  	s12 =	sadd.s32 $0x8000, s11;
	[dreg:$0x13] =	wrdreg s10  }
0x1a: {  	s13 =	sadd.s32 $0x8800, s11;
	[dreg:$0x14] =	wrdreg s12  }
0x1b: {  	s14 =	sadd.s32 $0x9000, s11;
	[dreg:$0x15] =	wrdreg s13  }
0x1c: {  	s15 =	sadd.s32 $0x9800, s11;
	[dreg:$0x16] =	wrdreg s14  }
0x1d: {  	s16 =	sadd.s32 $0xA000, s11;
	[dreg:$0x17] =	wrdreg s15  }
0x1e: {  	s17 =	sadd.s32 $0xA800, s11;
	[dreg:$0x18] =	wrdreg s16  }
0x1f: {  	s19 =	ssub.s32 $0x2, s4;
	s18 =	sadd.s32 $0xB000, s11;
	[dreg:$0x19] =	wrdreg s17  }
0x20: {  	s4 =	sshrl.u32 s19, $0x1;
	s20 =	sadd.s32 $0xB800, s11;
	[dreg:$0x1a] =	wrdreg s18  }
0x21: {  	s21 =	sadd.s32 $0xC000, s11;
	s22 =	sadd.s32 $0xC800, s11;
	[dreg:$0x1b] =	wrdreg s20  }
0x22: {  	s1 =	ssub.s32 s19, s4;
	[dreg:$0x1c] =	wrdreg s21;
	s5 =	sadd.s32 $0x100, s2  }
0x23: {  	[dreg:$0x1d] =	wrdreg s22;
	s23 =	sadd.s32 $0xD000, s11;
	s6 =	sadd.s32 $0x200, s2  }
0x24: {  	s24 =	sadd.s32 $0xD800, s11;
	s7 =	sadd.s32 $0x300, s2;
	[dreg:$0x1e] =	wrdreg s23  }
0x25: {  	s25 =	sadd.s32 $0xE000, s11;
	s8 =	sadd.s32 $0x400, s2;
	[dreg:$0x1f] =	wrdreg s24  }
0x26: {  	s26 =	sadd.s32 $0xE800, s11;
	s9 =	sadd.s32 $0x500, s2;
	[smem:$0x7F7] =	sst s25  }
0x27: {  	s28 =	sadd.s32 $0xF000, s11;
	s10 =	sadd.s32 $0x600, s2;
	[smem:$0x7F8] =	sst s26  }
0x28: {  	s29 =	sadd.s32 $0xF800, s11;
	s11 =	sadd.s32 $0x700, s2;
	[smem:$0x7F9] =	sst s28  }
0x29: {  	v0 =	vlaneseq.u32;
	s30 =	simm.s32 $0x80;
	s31 =	simm.s32 $0x200;
	[smem:$0x7FB] =	sst s29  }
0x2a: {  	v1 =	vshrl.u32 v0, $0x3;
	s15 =	simm.s32 $0x1;
	s20 =	simm.s32 $0x2;
	[smem:$0x7FC] =	sst s30  }
0x2b: {  	vm0 =	vmmov $0xffff;
	v0 =	vand.u32 $0x7, v0;
	v1 =	vmul.u32 $0x8, v1;
	s12 =	smax.u32 s1, $0x1;
	[smem:$0x7FD] =	sst s31;
	s23 =	simm.s32 $0x3  }
.LBB2_1:
0x2c: {  	s29 =	sld [smem:$0x7FC]  }
0x2d: {  	s30 =	sld [smem:$0x7FD]  }
0x2e: {  	[smem:$0x7F6] =	sst s12  }
0x2f: {  	s28 =	rddreg [dreg:$0x4];
	s14 =	simm.s32 $0xF  }
0x30: {  	[tilespmem:s3], [sflag:$0xF] =	stream.strided.gather [hbm4b:s28+s29], $0x100, s30, s29, $0x38;
	[tilespmem:$0x1C100] =	vst v63  }
0x31: {  	_ =	swait.ge [sflag:s14], $0x100  }
0x32: {  	[sflag:s14] =	ssyncset.done $0x0  }
0x33: {  	[sflag:s14] =	ssyncadd.s32 $0xFFFFFF00  }
0x34: {  	v2 =	vld.msk [tilespmem:$0x0], $0xff;
	_ =	sdelay $0x4  }
0x35: {  	v3 =	vshll.u32 v2, $0x4  }
0x36: {  	v2 =	vand.u32 $0x7, v2;
	v3 =	vand.u32 $0xFFFFFF80, v3  }
0x37: {  	v2 =	vor.u32 v2, v3  }
0x38: {  	v2 =	vperm.xlane v2, v0;
	_ =	sdelay $0x1  }
0x39: {  	v2 =	vadd.s32 v1, v2;
	_ =	sdelay $0x3  }
0x3a: {  	s16 =	simm.s32 $0x100  }
0x3b: {  	[tilespmem:s16], [sflag:$0x1] =	stream.indirect_vreg.gather [hbm4b:s2+s3], $0x80, v2, vm0, $0xb8;
	[tilespmem:$0x1C100] =	vst v63  }
0x3c: {  	s17 =	simm.s32 $0x900  }
0x3d: {  	[tilespmem:s17], [sflag:$0x1] =	stream.indirect_vreg.gather [hbm4b:s5+s3], $0x80, v2, vm0, $0xb8;
	[tilespmem:$0x1C100] =	vst v63  }
0x3e: {  	s18 =	simm.s32 $0x1100  }
0x3f: {  	[tilespmem:s18], [sflag:$0x1] =	stream.indirect_vreg.gather [hbm4b:s6+s3], $0x80, v2, vm0, $0xb8;
	[tilespmem:$0x1C100] =	vst v63  }
0x40: {  	s19 =	simm.s32 $0x1900  }
0x41: {  	[tilespmem:s19], [sflag:$0x1] =	stream.indirect_vreg.gather [hbm4b:s7+s3], $0x80, v2, vm0, $0xb8;
	[tilespmem:$0x1C100] =	vst v63  }
0x42: {  	s21 =	simm.s32 $0x2100  }
0x43: {  	[tilespmem:s21], [sflag:$0x1] =	stream.indirect_vreg.gather [hbm4b:s8+s3], $0x80, v2, vm0, $0xb8;
	[tilespmem:$0x1C100] =	vst v63  }
0x44: {  	s24 =	simm.s32 $0x2900  }
0x45: {  	[tilespmem:s24], [sflag:$0x1] =	stream.indirect_vreg.gather [hbm4b:s9+s3], $0x80, v2, vm0, $0xb8;
	[tilespmem:$0x1C100] =	vst v63  }
0x46: {  	s25 =	simm.s32 $0x3100  }
0x47: {  	[tilespmem:s25], [sflag:$0x1] =	stream.indirect_vreg.gather [hbm4b:s10+s3], $0x80, v2, vm0, $0xb8;
	[tilespmem:$0x1C100] =	vst v63  }
0x48: {  	s28 =	simm.s32 $0x3900  }
0x49: {  	[tilespmem:s28], [sflag:$0x1] =	stream.indirect_vreg.gather [hbm4b:s11+s3], $0x80, v2, vm0, $0xb8;
	[tilespmem:$0x1C100] =	vst v63  }
0x4a: {  	v2 =	vld.msk [tilespmem:$0x8], $0xff;
	_ =	sdelay $0x4  }
0x4b: {  	v3 =	vshll.u32 v2, $0x4  }
0x4c: {  	v2 =	vand.u32 $0x7, v2;
	v3 =	vand.u32 $0xFFFFFF80, v3  }
0x4d: {  	v2 =	vor.u32 v2, v3  }
0x4e: {  	v2 =	vperm.xlane v2, v0;
	_ =	sdelay $0x1  }
0x4f: {  	v2 =	vadd.s32 v1, v2;
	_ =	sdelay $0x3  }
0x50: {  	s29 =	simm.s32 $0x4100  }
0x51: {  	[tilespmem:s29], [sflag:$0x2] =	stream.indirect_vreg.gather [hbm4b:s2+s3], $0x80, v2, vm0, $0xb8;
	[tilespmem:$0x1C100] =	vst v63  }
0x52: {  	s31 =	simm.s32 $0x4900  }
0x53: {  	[tilespmem:s31], [sflag:$0x2] =	stream.indirect_vreg.gather [hbm4b:s5+s3], $0x80, v2, vm0, $0xb8;
	[tilespmem:$0x1C100] =	vst v63  }
0x54: {  	s0 =	simm.s32 $0x5100  }
0x55: {  	[tilespmem:s0], [sflag:$0x2] =	stream.indirect_vreg.gather [hbm4b:s6+s3], $0x80, v2, vm0, $0xb8;
	[tilespmem:$0x1C100] =	vst v63  }
0x56: {  	s1 =	simm.s32 $0x5900  }
0x57: {  	[tilespmem:s1], [sflag:$0x2] =	stream.indirect_vreg.gather [hbm4b:s7+s3], $0x80, v2, vm0, $0xb8;
	[tilespmem:$0x1C100] =	vst v63  }
0x58: {  	s4 =	simm.s32 $0x6100  }
0x59: {  	[tilespmem:s4], [sflag:$0x2] =	stream.indirect_vreg.gather [hbm4b:s8+s3], $0x80, v2, vm0, $0xb8;
	[tilespmem:$0x1C100] =	vst v63  }
0x5a: {  	s14 =	simm.s32 $0x6900  }
0x5b: {  	[tilespmem:s14], [sflag:$0x2] =	stream.indirect_vreg.gather [hbm4b:s9+s3], $0x80, v2, vm0, $0xb8;
	[tilespmem:$0x1C100] =	vst v63  }
0x5c: {  	s17 =	simm.s32 $0x7100  }
0x5d: {  	[tilespmem:s17], [sflag:$0x2] =	stream.indirect_vreg.gather [hbm4b:s10+s3], $0x80, v2, vm0, $0xb8;
	[tilespmem:$0x1C100] =	vst v63  }
0x5e: {  	s18 =	simm.s32 $0x7900  }
0x5f: {  	[tilespmem:s18], [sflag:$0x2] =	stream.indirect_vreg.gather [hbm4b:s11+s3], $0x80, v2, vm0, $0xb8;
	[tilespmem:$0x1C100] =	vst v63  }
0x60: {  	v2 =	vld.msk [tilespmem:$0x10], $0xff;
	_ =	sdelay $0x4  }
0x61: {  	v3 =	vshll.u32 v2, $0x4  }
0x62: {  	v2 =	vand.u32 $0x7, v2;
	v3 =	vand.u32 $0xFFFFFF80, v3  }
0x63: {  	v2 =	vor.u32 v2, v3  }
0x64: {  	v2 =	vperm.xlane v2, v0;
	_ =	sdelay $0x1  }
0x65: {  	v2 =	vadd.s32 v1, v2;
	_ =	sdelay $0x3  }
0x66: {  	s28 =	simm.s32 $0x8100  }
0x67: {  	[tilespmem:s28], [sflag:$0x3] =	stream.indirect_vreg.gather [hbm4b:s2+s3], $0x80, v2, vm0, $0xb8;
	[tilespmem:$0x1C100] =	vst v63  }
0x68: {  	s14 =	simm.s32 $0x8900  }
0x69: {  	[tilespmem:s14], [sflag:$0x3] =	stream.indirect_vreg.gather [hbm4b:s5+s3], $0x80, v2, vm0, $0xb8;
	[tilespmem:$0x1C100] =	vst v63  }
0x6a: {  	s29 =	simm.s32 $0x9100  }
0x6b: {  	[tilespmem:s29], [sflag:$0x3] =	stream.indirect_vreg.gather [hbm4b:s6+s3], $0x80, v2, vm0, $0xb8;
	[tilespmem:$0x1C100] =	vst v63  }
0x6c: {  	s31 =	simm.s32 $0x9900  }
0x6d: {  	[tilespmem:s31], [sflag:$0x3] =	stream.indirect_vreg.gather [hbm4b:s7+s3], $0x80, v2, vm0, $0xb8;
	[tilespmem:$0x1C100] =	vst v63  }
0x6e: {  	s0 =	simm.s32 $0xA100  }
0x6f: {  	[tilespmem:s0], [sflag:$0x3] =	stream.indirect_vreg.gather [hbm4b:s8+s3], $0x80, v2, vm0, $0xb8;
	[tilespmem:$0x1C100] =	vst v63  }
0x70: {  	s1 =	simm.s32 $0xA900  }
0x71: {  	[tilespmem:s1], [sflag:$0x3] =	stream.indirect_vreg.gather [hbm4b:s9+s3], $0x80, v2, vm0, $0xb8;
	[tilespmem:$0x1C100] =	vst v63  }
0x72: {  	s4 =	simm.s32 $0xB100  }
0x73: {  	[tilespmem:s4], [sflag:$0x3] =	stream.indirect_vreg.gather [hbm4b:s10+s3], $0x80, v2, vm0, $0xb8;
	[tilespmem:$0x1C100] =	vst v63  }
0x74: {  	s12 =	simm.s32 $0xB900  }
0x75: {  	[tilespmem:s12], [sflag:$0x3] =	stream.indirect_vreg.gather [hbm4b:s11+s3], $0x80, v2, vm0, $0xb8;
	[tilespmem:$0x1C100] =	vst v63  }
0x76: {  	v2 =	vld.msk [tilespmem:$0x18], $0xff;
	_ =	sdelay $0x4  }
0x77: {  	v3 =	vshll.u32 v2, $0x4  }
0x78: {  	v2 =	vand.u32 $0x7, v2;
	v3 =	vand.u32 $0xFFFFFF80, v3  }
0x79: {  	v2 =	vor.u32 v2, v3  }
0x7a: {  	v2 =	vperm.xlane v2, v0;
	_ =	sdelay $0x1  }
0x7b: {  	v2 =	vadd.s32 v1, v2;
	_ =	sdelay $0x3  }
0x7c: {  	s17 =	simm.s32 $0xC100  }
0x7d: {  	[tilespmem:s17], [sflag:$0x4] =	stream.indirect_vreg.gather [hbm4b:s2+s3], $0x80, v2, vm0, $0xb8;
	[tilespmem:$0x1C100] =	vst v63  }
0x7e: {  	s18 =	simm.s32 $0xC900  }
0x7f: {  	[tilespmem:s18], [sflag:$0x4] =	stream.indirect_vreg.gather [hbm4b:s5+s3], $0x80, v2, vm0, $0xb8;
	[tilespmem:$0x1C100] =	vst v63  }
0x80: {  	s29 =	simm.s32 $0xD100  }
0x81: {  	[tilespmem:s29], [sflag:$0x4] =	stream.indirect_vreg.gather [hbm4b:s6+s3], $0x80, v2, vm0, $0xb8;
	[tilespmem:$0x1C100] =	vst v63  }
0x82: {  	s0 =	simm.s32 $0xD900  }
0x83: {  	[tilespmem:s0], [sflag:$0x4] =	stream.indirect_vreg.gather [hbm4b:s7+s3], $0x80, v2, vm0, $0xb8;
	[tilespmem:$0x1C100] =	vst v63  }
0x84: {  	s1 =	simm.s32 $0xE100  }
0x85: {  	[tilespmem:s1], [sflag:$0x4] =	stream.indirect_vreg.gather [hbm4b:s8+s3], $0x80, v2, vm0, $0xb8;
	[tilespmem:$0x1C100] =	vst v63  }
0x86: {  	s4 =	simm.s32 $0xE900  }
0x87: {  	[tilespmem:s4], [sflag:$0x4] =	stream.indirect_vreg.gather [hbm4b:s9+s3], $0x80, v2, vm0, $0xb8;
	[tilespmem:$0x1C100] =	vst v63  }
0x88: {  	s12 =	simm.s32 $0xF100  }
0x89: {  	[tilespmem:s12], [sflag:$0x4] =	stream.indirect_vreg.gather [hbm4b:s10+s3], $0x80, v2, vm0, $0xb8;
	[tilespmem:$0x1C100] =	vst v63  }
0x8a: {  	s14 =	simm.s32 $0xF900  }
0x8b: {  	[tilespmem:s14], [sflag:$0x4] =	stream.indirect_vreg.gather [hbm4b:s11+s3], $0x80, v2, vm0, $0xb8;
	[tilespmem:$0x1C100] =	vst v63  }
0x8c: {  	v2 =	vld.msk [tilespmem:$0x20], $0xff;
	_ =	sdelay $0x4  }
0x8d: {  	v3 =	vshll.u32 v2, $0x4  }
0x8e: {  	v2 =	vand.u32 $0x7, v2;
	v3 =	vand.u32 $0xFFFFFF80, v3  }
0x8f: {  	v2 =	vor.u32 v2, v3  }
0x90: {  	v2 =	vperm.xlane v2, v0;
	_ =	sdelay $0x1  }
0x91: {  	v2 =	vadd.s32 v1, v2;
	_ =	sdelay $0x3  }
0x92: {  	s17 =	simm.s32 $0x10100  }
0x93: {  	[tilespmem:s17], [sflag:$0x5] =	stream.indirect_vreg.gather [hbm4b:s2+s3], $0x80, v2, vm0, $0xb8;
	[tilespmem:$0x1C100] =	vst v63  }
0x94: {  	s18 =	simm.s32 $0x10900  }
0x95: {  	[tilespmem:s18], [sflag:$0x5] =	stream.indirect_vreg.gather [hbm4b:s5+s3], $0x80, v2, vm0, $0xb8;
	[tilespmem:$0x1C100] =	vst v63  }
0x96: {  	s28 =	simm.s32 $0x11100  }
0x97: {  	[tilespmem:s28], [sflag:$0x5] =	stream.indirect_vreg.gather [hbm4b:s6+s3], $0x80, v2, vm0, $0xb8;
	[tilespmem:$0x1C100] =	vst v63  }
0x98: {  	s29 =	simm.s32 $0x11900  }
0x99: {  	[tilespmem:s29], [sflag:$0x5] =	stream.indirect_vreg.gather [hbm4b:s7+s3], $0x80, v2, vm0, $0xb8;
	[tilespmem:$0x1C100] =	vst v63  }
0x9a: {  	s0 =	simm.s32 $0x12100  }
0x9b: {  	[tilespmem:s0], [sflag:$0x5] =	stream.indirect_vreg.gather [hbm4b:s8+s3], $0x80, v2, vm0, $0xb8;
	[tilespmem:$0x1C100] =	vst v63  }
0x9c: {  	s1 =	simm.s32 $0x12900  }
0x9d: {  	[tilespmem:s1], [sflag:$0x5] =	stream.indirect_vreg.gather [hbm4b:s9+s3], $0x80, v2, vm0, $0xb8;
	[tilespmem:$0x1C100] =	vst v63  }
0x9e: {  	s4 =	simm.s32 $0x13100  }
0x9f: {  	[tilespmem:s4], [sflag:$0x5] =	stream.indirect_vreg.gather [hbm4b:s10+s3], $0x80, v2, vm0, $0xb8;
	[tilespmem:$0x1C100] =	vst v63  }
0xa0: {  	s14 =	simm.s32 $0x13900  }
0xa1: {  	[tilespmem:s14], [sflag:$0x5] =	stream.indirect_vreg.gather [hbm4b:s11+s3], $0x80, v2, vm0, $0xb8;
	[tilespmem:$0x1C100] =	vst v63  }
0xa2: {  	v2 =	vld.msk [tilespmem:$0x28], $0xff;
	_ =	sdelay $0x4  }
0xa3: {  	v3 =	vshll.u32 v2, $0x4  }
0xa4: {  	v2 =	vand.u32 $0x7, v2;
	v3 =	vand.u32 $0xFFFFFF80, v3  }
0xa5: {  	v2 =	vor.u32 v2, v3  }
0xa6: {  	v2 =	vperm.xlane v2, v0;
	_ =	sdelay $0x1  }
0xa7: {  	v2 =	vadd.s32 v1, v2;
	_ =	sdelay $0x3  }
0xa8: {  	s17 =	simm.s32 $0x14100  }
0xa9: {  	[tilespmem:s17], [sflag:$0x6] =	stream.indirect_vreg.gather [hbm4b:s2+s3], $0x80, v2, vm0, $0xb8;
	[tilespmem:$0x1C100] =	vst v63  }
0xaa: {  	s18 =	simm.s32 $0x14900  }
0xab: {  	[tilespmem:s18], [sflag:$0x6] =	stream.indirect_vreg.gather [hbm4b:s5+s3], $0x80, v2, vm0, $0xb8;
	[tilespmem:$0x1C100] =	vst v63  }
0xac: {  	s28 =	simm.s32 $0x15100  }
0xad: {  	[tilespmem:s28], [sflag:$0x6] =	stream.indirect_vreg.gather [hbm4b:s6+s3], $0x80, v2, vm0, $0xb8;
	[tilespmem:$0x1C100] =	vst v63  }
0xae: {  	s29 =	simm.s32 $0x15900  }
0xaf: {  	[tilespmem:s29], [sflag:$0x6] =	stream.indirect_vreg.gather [hbm4b:s7+s3], $0x80, v2, vm0, $0xb8;
	[tilespmem:$0x1C100] =	vst v63  }
0xb0: {  	s0 =	simm.s32 $0x16100  }
0xb1: {  	[tilespmem:s0], [sflag:$0x6] =	stream.indirect_vreg.gather [hbm4b:s8+s3], $0x80, v2, vm0, $0xb8;
	[tilespmem:$0x1C100] =	vst v63  }
0xb2: {  	s1 =	simm.s32 $0x16900  }
0xb3: {  	[tilespmem:s1], [sflag:$0x6] =	stream.indirect_vreg.gather [hbm4b:s9+s3], $0x80, v2, vm0, $0xb8;
	[tilespmem:$0x1C100] =	vst v63  }
0xb4: {  	s4 =	simm.s32 $0x17100  }
0xb5: {  	[tilespmem:s4], [sflag:$0x6] =	stream.indirect_vreg.gather [hbm4b:s10+s3], $0x80, v2, vm0, $0xb8;
	[tilespmem:$0x1C100] =	vst v63  }
0xb6: {  	s12 =	simm.s32 $0x17900  }
0xb7: {  	[tilespmem:s12], [sflag:$0x6] =	stream.indirect_vreg.gather [hbm4b:s11+s3], $0x80, v2, vm0, $0xb8;
	[tilespmem:$0x1C100] =	vst v63  }
0xb8: {  	v2 =	vld.msk [tilespmem:$0x30], $0xff;
	_ =	sdelay $0x4  }
0xb9: {  	v3 =	vshll.u32 v2, $0x4  }
0xba: {  	v2 =	vand.u32 $0x7, v2;
	v3 =	vand.u32 $0xFFFFFF80, v3  }
0xbb: {  	v2 =	vor.u32 v2, v3  }
0xbc: {  	v2 =	vperm.xlane v2, v0;
	_ =	sdelay $0x1  }
0xbd: {  	v2 =	vadd.s32 v1, v2;
	_ =	sdelay $0x3  }
0xbe: {  	s18 =	simm.s32 $0x18100  }
0xbf: {  	[tilespmem:s18], [sflag:$0x7] =	stream.indirect_vreg.gather [hbm4b:s2+s3], $0x80, v2, vm0, $0xb8;
	[tilespmem:$0x1C100] =	vst v63  }
0xc0: {  	s29 =	simm.s32 $0x18900  }
0xc1: {  	[tilespmem:s29], [sflag:$0x7] =	stream.indirect_vreg.gather [hbm4b:s5+s3], $0x80, v2, vm0, $0xb8;
	[tilespmem:$0x1C100] =	vst v63  }
0xc2: {  	s1 =	simm.s32 $0x19100  }
0xc3: {  	[tilespmem:s1], [sflag:$0x7] =	stream.indirect_vreg.gather [hbm4b:s6+s3], $0x80, v2, vm0, $0xb8;
	[tilespmem:$0x1C100] =	vst v63  }
0xc4: {  	s4 =	simm.s32 $0x19900  }
0xc5: {  	[tilespmem:s4], [sflag:$0x7] =	stream.indirect_vreg.gather [hbm4b:s7+s3], $0x80, v2, vm0, $0xb8;
	[tilespmem:$0x1C100] =	vst v63  }
0xc6: {  	s12 =	simm.s32 $0x1A100  }
0xc7: {  	[tilespmem:s12], [sflag:$0x7] =	stream.indirect_vreg.gather [hbm4b:s8+s3], $0x80, v2, vm0, $0xb8;
	[tilespmem:$0x1C100] =	vst v63  }
0xc8: {  	s14 =	simm.s32 $0x1A900  }
0xc9: {  	[tilespmem:s14], [sflag:$0x7] =	stream.indirect_vreg.gather [hbm4b:s9+s3], $0x80, v2, vm0, $0xb8;
	[tilespmem:$0x1C100] =	vst v63  }
0xca: {  	s18 =	simm.s32 $0x1B100  }
0xcb: {  	[tilespmem:s18], [sflag:$0x7] =	stream.indirect_vreg.gather [hbm4b:s10+s3], $0x80, v2, vm0, $0xb8;
	[tilespmem:$0x1C100] =	vst v63  }
0xcc: {  	s29 =	simm.s32 $0x1B900  }
0xcd: {  	[tilespmem:s29], [sflag:$0x7] =	stream.indirect_vreg.gather [hbm4b:s11+s3], $0x80, v2, vm0, $0xb8;
	[tilespmem:$0x1C100] =	vst v63  }
0xce: {  	_ =	swait.ge [sflag:s15], $0x4000  }
0xcf: {  	s1 =	sld [smem:$0x7FA]  }
0xd0: {  	[sflag:s15] =	ssyncset.done $0x0  }
0xd1: {  	s14 =	simm.s32 $0x100;
	[sflag:s15] =	ssyncadd.s32 $0xFFFFC000  }
0xd2: {  	[hbm4b:s1+s3] =	stream.linear.scatter [tilespmem:s14], [sflag:$0x8], $0x4000, $0x38;
	[tilespmem:$0x1C100] =	vst v63  }
0xd3: {  	_ =	swait.ge [sflag:s20], $0x4000  }
0xd4: {  	[sflag:s20] =	ssyncset.done $0x0  }
0xd5: {  	s18 =	simm.s32 $0x4100;
	s4 =	rddreg [dreg:$0x5];
	[sflag:s20] =	ssyncadd.s32 $0xFFFFC000  }
0xd6: {  	[hbm4b:s4+s3] =	stream.linear.scatter [tilespmem:s18], [sflag:$0x9], $0x4000, $0x38;
	[tilespmem:$0x1C100] =	vst v63  }
0xd7: {  	_ =	swait.ge [sflag:s23], $0x4000  }
0xd8: {  	s29 =	simm.s32 $0x8100;
	[sflag:s23] =	ssyncset.done $0x0  }
0xd9: {  	s4 =	simm.s32 $0x8;
	s12 =	rddreg [dreg:$0x6];
	[sflag:s23] =	ssyncadd.s32 $0xFFFFC000  }
0xda: {  	[hbm4b:s12+s3] =	stream.linear.scatter [tilespmem:s29], [sflag:$0xA], $0x4000, $0x38;
	[tilespmem:$0x1C100] =	vst v63  }
0xdb: {  	_ =	swait.ge [sflag:s4], $0x4000  }
0xdc: {  	[sflag:s4] =	ssyncset.done $0x0  }
0xdd: {  	[sflag:s4] =	ssyncadd.s32 $0xFFFFC000  }
0xde: {  	v2 =	vld.msk [tilespmem:$0x38], $0xff;
	_ =	sdelay $0x4  }
0xdf: {  	v3 =	vshll.u32 v2, $0x4  }
0xe0: {  	v2 =	vand.u32 $0x7, v2;
	v3 =	vand.u32 $0xFFFFFF80, v3  }
0xe1: {  	v2 =	vor.u32 v2, v3  }
0xe2: {  	v2 =	vperm.xlane v2, v0;
	_ =	sdelay $0x1  }
0xe3: {  	v2 =	vadd.s32 v1, v2;
	_ =	sdelay $0x4  }
0xe4: {  	[tilespmem:s14], [sflag:$0x1] =	stream.indirect_vreg.gather [hbm4b:s2+s3], $0x80, v2, vm0, $0xb8;
	[tilespmem:$0x1C100] =	vst v63  }
0xe5: {  	s26 =	simm.s32 $0x900  }
0xe6: {  	[tilespmem:s26], [sflag:$0x1] =	stream.indirect_vreg.gather [hbm4b:s5+s3], $0x80, v2, vm0, $0xb8;
	[tilespmem:$0x1C100] =	vst v63  }
0xe7: {  	s30 =	simm.s32 $0x1100  }
0xe8: {  	[tilespmem:s30], [sflag:$0x1] =	stream.indirect_vreg.gather [hbm4b:s6+s3], $0x80, v2, vm0, $0xb8;
	[tilespmem:$0x1C100] =	vst v63  }
0xe9: {  	s22 =	simm.s32 $0x1900  }
0xea: {  	[tilespmem:s22], [sflag:$0x1] =	stream.indirect_vreg.gather [hbm4b:s7+s3], $0x80, v2, vm0, $0xb8;
	[tilespmem:$0x1C100] =	vst v63  }
0xeb: {  	s13 =	simm.s32 $0x2100  }
0xec: {  	[tilespmem:s13], [sflag:$0x1] =	stream.indirect_vreg.gather [hbm4b:s8+s3], $0x80, v2, vm0, $0xb8;
	[tilespmem:$0x1C100] =	vst v63  }
0xed: {  	s24 =	simm.s32 $0x2900  }
0xee: {  	[tilespmem:s24], [sflag:$0x1] =	stream.indirect_vreg.gather [hbm4b:s9+s3], $0x80, v2, vm0, $0xb8;
	[tilespmem:$0x1C100] =	vst v63  }
0xef: {  	s19 =	simm.s32 $0x3100  }
0xf0: {  	[tilespmem:s19], [sflag:$0x1] =	stream.indirect_vreg.gather [hbm4b:s10+s3], $0x80, v2, vm0, $0xb8;
	[tilespmem:$0x1C100] =	vst v63  }
0xf1: {  	s16 =	simm.s32 $0x3900  }
0xf2: {  	[tilespmem:s16], [sflag:$0x1] =	stream.indirect_vreg.gather [hbm4b:s11+s3], $0x80, v2, vm0, $0xb8;
	[tilespmem:$0x1C100] =	vst v63  }
0xf3: {  	s16 =	simm.s32 $0x4  }
0xf4: {  	_ =	swait.ge [sflag:s16], $0x4000  }
0xf5: {  	s24 =	simm.s32 $0xC100;
	[sflag:s16] =	ssyncset.done $0x0  }
0xf6: {  	s19 =	simm.s32 $0x9;
	s26 =	rddreg [dreg:$0x7];
	[sflag:s16] =	ssyncadd.s32 $0xFFFFC000  }
0xf7: {  	[hbm4b:s26+s3] =	stream.linear.scatter [tilespmem:s24], [sflag:$0xB], $0x4000, $0x38;
	[tilespmem:$0x1C100] =	vst v63  }
0xf8: {  	_ =	swait.ge [sflag:s19], $0x4000  }
0xf9: {  	[sflag:s19] =	ssyncset.done $0x0  }
0xfa: {  	[sflag:s19] =	ssyncadd.s32 $0xFFFFC000  }
0xfb: {  	v2 =	vld.msk [tilespmem:$0x40], $0xff;
	_ =	sdelay $0x4  }
0xfc: {  	v3 =	vshll.u32 v2, $0x4  }
0xfd: {  	v2 =	vand.u32 $0x7, v2;
	v3 =	vand.u32 $0xFFFFFF80, v3  }
0xfe: {  	v2 =	vor.u32 v2, v3  }
0xff: {  	v2 =	vperm.xlane v2, v0;
	_ =	sdelay $0x1  }
0x100: {  	v2 =	vadd.s32 v1, v2;
	_ =	sdelay $0x4  }
0x101: {  	[tilespmem:s18], [sflag:$0x2] =	stream.indirect_vreg.gather [hbm4b:s2+s3], $0x80, v2, vm0, $0xb8;
	[tilespmem:$0x1C100] =	vst v63  }
0x102: {  	s21 =	simm.s32 $0x4900  }
0x103: {  	[tilespmem:s21], [sflag:$0x2] =	stream.indirect_vreg.gather [hbm4b:s5+s3], $0x80, v2, vm0, $0xb8;
	[tilespmem:$0x1C100] =	vst v63  }
0x104: {  	s25 =	simm.s32 $0x5100  }
0x105: {  	[tilespmem:s25], [sflag:$0x2] =	stream.indirect_vreg.gather [hbm4b:s6+s3], $0x80, v2, vm0, $0xb8;
	[tilespmem:$0x1C100] =	vst v63  }
0x106: {  	s28 =	simm.s32 $0x5900  }
0x107: {  	[tilespmem:s28], [sflag:$0x2] =	stream.indirect_vreg.gather [hbm4b:s7+s3], $0x80, v2, vm0, $0xb8;
	[tilespmem:$0x1C100] =	vst v63  }
0x108: {  	s30 =	simm.s32 $0x6100  }
0x109: {  	[tilespmem:s30], [sflag:$0x2] =	stream.indirect_vreg.gather [hbm4b:s8+s3], $0x80, v2, vm0, $0xb8;
	[tilespmem:$0x1C100] =	vst v63  }
0x10a: {  	s13 =	simm.s32 $0x6900  }
0x10b: {  	[tilespmem:s13], [sflag:$0x2] =	stream.indirect_vreg.gather [hbm4b:s9+s3], $0x80, v2, vm0, $0xb8;
	[tilespmem:$0x1C100] =	vst v63  }
0x10c: {  	s14 =	simm.s32 $0x7100  }
0x10d: {  	[tilespmem:s14], [sflag:$0x2] =	stream.indirect_vreg.gather [hbm4b:s10+s3], $0x80, v2, vm0, $0xb8;
	[tilespmem:$0x1C100] =	vst v63  }
0x10e: {  	s21 =	simm.s32 $0x7900;
	s25 =	simm.s32 $0x5  }
0x10f: {  	[tilespmem:s21], [sflag:$0x2] =	stream.indirect_vreg.gather [hbm4b:s11+s3], $0x80, v2, vm0, $0xb8;
	[tilespmem:$0x1C100] =	vst v63  }
0x110: {  	_ =	swait.ge [sflag:s25], $0x4000  }
0x111: {  	s26 =	simm.s32 $0x10100;
	[sflag:s25] =	ssyncset.done $0x0  }
0x112: {  	s21 =	simm.s32 $0xA;
	s22 =	rddreg [dreg:$0x8];
	[sflag:s25] =	ssyncadd.s32 $0xFFFFC000  }
0x113: {  	[hbm4b:s22+s3] =	stream.linear.scatter [tilespmem:s26], [sflag:$0xC], $0x4000, $0x38;
	[tilespmem:$0x1C100] =	vst v63  }
0x114: {  	_ =	swait.ge [sflag:s21], $0x4000  }
0x115: {  	[sflag:s21] =	ssyncset.done $0x0  }
0x116: {  	[sflag:s21] =	ssyncadd.s32 $0xFFFFC000  }
0x117: {  	v2 =	vld.msk [tilespmem:$0x48], $0xff;
	_ =	sdelay $0x4  }
0x118: {  	v3 =	vshll.u32 v2, $0x4  }
0x119: {  	v2 =	vand.u32 $0x7, v2;
	v3 =	vand.u32 $0xFFFFFF80, v3  }
0x11a: {  	v2 =	vor.u32 v2, v3  }
0x11b: {  	v2 =	vperm.xlane v2, v0;
	_ =	sdelay $0x1  }
0x11c: {  	v2 =	vadd.s32 v1, v2;
	_ =	sdelay $0x4  }
0x11d: {  	[tilespmem:s29], [sflag:$0x3] =	stream.indirect_vreg.gather [hbm4b:s2+s3], $0x80, v2, vm0, $0xb8;
	[tilespmem:$0x1C100] =	vst v63  }
0x11e: {  	s29 =	simm.s32 $0x8900  }
0x11f: {  	[tilespmem:s29], [sflag:$0x3] =	stream.indirect_vreg.gather [hbm4b:s5+s3], $0x80, v2, vm0, $0xb8;
	[tilespmem:$0x1C100] =	vst v63  }
0x120: {  	s22 =	simm.s32 $0x9100  }
0x121: {  	[tilespmem:s22], [sflag:$0x3] =	stream.indirect_vreg.gather [hbm4b:s6+s3], $0x80, v2, vm0, $0xb8;
	[tilespmem:$0x1C100] =	vst v63  }
0x122: {  	s30 =	simm.s32 $0x9900  }
0x123: {  	[tilespmem:s30], [sflag:$0x3] =	stream.indirect_vreg.gather [hbm4b:s7+s3], $0x80, v2, vm0, $0xb8;
	[tilespmem:$0x1C100] =	vst v63  }
0x124: {  	s13 =	simm.s32 $0xA100  }
0x125: {  	[tilespmem:s13], [sflag:$0x3] =	stream.indirect_vreg.gather [hbm4b:s8+s3], $0x80, v2, vm0, $0xb8;
	[tilespmem:$0x1C100] =	vst v63  }
0x126: {  	s14 =	simm.s32 $0xA900  }
0x127: {  	[tilespmem:s14], [sflag:$0x3] =	stream.indirect_vreg.gather [hbm4b:s9+s3], $0x80, v2, vm0, $0xb8;
	[tilespmem:$0x1C100] =	vst v63  }
0x128: {  	s28 =	simm.s32 $0xB100  }
0x129: {  	[tilespmem:s28], [sflag:$0x3] =	stream.indirect_vreg.gather [hbm4b:s10+s3], $0x80, v2, vm0, $0xb8;
	[tilespmem:$0x1C100] =	vst v63  }
0x12a: {  	s29 =	simm.s32 $0xB900  }
0x12b: {  	[tilespmem:s29], [sflag:$0x3] =	stream.indirect_vreg.gather [hbm4b:s11+s3], $0x80, v2, vm0, $0xb8;
	[tilespmem:$0x1C100] =	vst v63  }
0x12c: {  	s29 =	simm.s32 $0x6  }
0x12d: {  	_ =	swait.ge [sflag:s29], $0x4000  }
0x12e: {  	s17 =	simm.s32 $0x14100;
	[sflag:s29] =	ssyncset.done $0x0  }
0x12f: {  	s4 =	simm.s32 $0xB;
	s30 =	rddreg [dreg:$0x9];
	[sflag:s29] =	ssyncadd.s32 $0xFFFFC000  }
0x130: {  	[hbm4b:s30+s3] =	stream.linear.scatter [tilespmem:s17], [sflag:$0xD], $0x4000, $0x38;
	[tilespmem:$0x1C100] =	vst v63  }
0x131: {  	_ =	swait.ge [sflag:s4], $0x4000  }
0x132: {  	[sflag:s4] =	ssyncset.done $0x0  }
0x133: {  	[sflag:s4] =	ssyncadd.s32 $0xFFFFC000  }
0x134: {  	v2 =	vld.msk [tilespmem:$0x50], $0xff;
	_ =	sdelay $0x4  }
0x135: {  	v3 =	vshll.u32 v2, $0x4  }
0x136: {  	v2 =	vand.u32 $0x7, v2;
	v3 =	vand.u32 $0xFFFFFF80, v3  }
0x137: {  	v2 =	vor.u32 v2, v3  }
0x138: {  	v2 =	vperm.xlane v2, v0;
	_ =	sdelay $0x1  }
0x139: {  	v2 =	vadd.s32 v1, v2;
	_ =	sdelay $0x4  }
0x13a: {  	[tilespmem:s24], [sflag:$0x4] =	stream.indirect_vreg.gather [hbm4b:s2+s3], $0x80, v2, vm0, $0xb8;
	[tilespmem:$0x1C100] =	vst v63  }
0x13b: {  	s31 =	simm.s32 $0xC900  }
0x13c: {  	[tilespmem:s31], [sflag:$0x4] =	stream.indirect_vreg.gather [hbm4b:s5+s3], $0x80, v2, vm0, $0xb8;
	[tilespmem:$0x1C100] =	vst v63  }
0x13d: {  	s31 =	simm.s32 $0xD100  }
0x13e: {  	[tilespmem:s31], [sflag:$0x4] =	stream.indirect_vreg.gather [hbm4b:s6+s3], $0x80, v2, vm0, $0xb8;
	[tilespmem:$0x1C100] =	vst v63  }
0x13f: {  	s14 =	simm.s32 $0xD900  }
0x140: {  	[tilespmem:s14], [sflag:$0x4] =	stream.indirect_vreg.gather [hbm4b:s7+s3], $0x80, v2, vm0, $0xb8;
	[tilespmem:$0x1C100] =	vst v63  }
0x141: {  	s24 =	simm.s32 $0xE100  }
0x142: {  	[tilespmem:s24], [sflag:$0x4] =	stream.indirect_vreg.gather [hbm4b:s8+s3], $0x80, v2, vm0, $0xb8;
	[tilespmem:$0x1C100] =	vst v63  }
0x143: {  	s28 =	simm.s32 $0xE900  }
0x144: {  	[tilespmem:s28], [sflag:$0x4] =	stream.indirect_vreg.gather [hbm4b:s9+s3], $0x80, v2, vm0, $0xb8;
	[tilespmem:$0x1C100] =	vst v63  }
0x145: {  	s30 =	simm.s32 $0xF100  }
0x146: {  	[tilespmem:s30], [sflag:$0x4] =	stream.indirect_vreg.gather [hbm4b:s10+s3], $0x80, v2, vm0, $0xb8;
	[tilespmem:$0x1C100] =	vst v63  }
0x147: {  	s31 =	simm.s32 $0xF900;
	s24 =	simm.s32 $0x7  }
0x148: {  	[tilespmem:s31], [sflag:$0x4] =	stream.indirect_vreg.gather [hbm4b:s11+s3], $0x80, v2, vm0, $0xb8;
	[tilespmem:$0x1C100] =	vst v63  }
0x149: {  	_ =	swait.ge [sflag:s24], $0x4000  }
0x14a: {  	s0 =	simm.s32 $0x18100;
	[sflag:s24] =	ssyncset.done $0x0  }
0x14b: {  	s14 =	simm.s32 $0xC;
	s13 =	rddreg [dreg:$0xa];
	[sflag:s24] =	ssyncadd.s32 $0xFFFFC000  }
0x14c: {  	[hbm4b:s13+s3] =	stream.linear.scatter [tilespmem:s0], [sflag:$0xE], $0x4000, $0x38;
	[tilespmem:$0x1C100] =	vst v63  }
0x14d: {  	_ =	swait.ge [sflag:s14], $0x4000  }
0x14e: {  	[sflag:s14] =	ssyncset.done $0x0  }
0x14f: {  	[sflag:s14] =	ssyncadd.s32 $0xFFFFC000  }
0x150: {  	v2 =	vld.msk [tilespmem:$0x58], $0xff;
	_ =	sdelay $0x4  }
0x151: {  	v3 =	vshll.u32 v2, $0x4  }
0x152: {  	v2 =	vand.u32 $0x7, v2;
	v3 =	vand.u32 $0xFFFFFF80, v3  }
0x153: {  	v2 =	vor.u32 v2, v3  }
0x154: {  	v2 =	vperm.xlane v2, v0;
	_ =	sdelay $0x1  }
0x155: {  	v2 =	vadd.s32 v1, v2;
	_ =	sdelay $0x4  }
0x156: {  	[tilespmem:s26], [sflag:$0x5] =	stream.indirect_vreg.gather [hbm4b:s2+s3], $0x80, v2, vm0, $0xb8;
	[tilespmem:$0x1C100] =	vst v63  }
0x157: {  	s26 =	simm.s32 $0x10900  }
0x158: {  	[tilespmem:s26], [sflag:$0x5] =	stream.indirect_vreg.gather [hbm4b:s5+s3], $0x80, v2, vm0, $0xb8;
	[tilespmem:$0x1C100] =	vst v63  }
0x159: {  	s28 =	simm.s32 $0x11100  }
0x15a: {  	[tilespmem:s28], [sflag:$0x5] =	stream.indirect_vreg.gather [hbm4b:s6+s3], $0x80, v2, vm0, $0xb8;
	[tilespmem:$0x1C100] =	vst v63  }
0x15b: {  	s31 =	simm.s32 $0x11900  }
0x15c: {  	[tilespmem:s31], [sflag:$0x5] =	stream.indirect_vreg.gather [hbm4b:s7+s3], $0x80, v2, vm0, $0xb8;
	[tilespmem:$0x1C100] =	vst v63  }
0x15d: {  	s0 =	simm.s32 $0x12100  }
0x15e: {  	[tilespmem:s0], [sflag:$0x5] =	stream.indirect_vreg.gather [hbm4b:s8+s3], $0x80, v2, vm0, $0xb8;
	[tilespmem:$0x1C100] =	vst v63  }
0x15f: {  	s14 =	simm.s32 $0x12900  }
0x160: {  	[tilespmem:s14], [sflag:$0x5] =	stream.indirect_vreg.gather [hbm4b:s9+s3], $0x80, v2, vm0, $0xb8;
	[tilespmem:$0x1C100] =	vst v63  }
0x161: {  	s28 =	simm.s32 $0x13100  }
0x162: {  	[tilespmem:s28], [sflag:$0x5] =	stream.indirect_vreg.gather [hbm4b:s10+s3], $0x80, v2, vm0, $0xb8;
	[tilespmem:$0x1C100] =	vst v63  }
0x163: {  	s31 =	simm.s32 $0x13900  }
0x164: {  	[tilespmem:s31], [sflag:$0x5] =	stream.indirect_vreg.gather [hbm4b:s11+s3], $0x80, v2, vm0, $0xb8;
	[tilespmem:$0x1C100] =	vst v63  }
0x165: {  	_ =	swait.ge [sflag:s15], $0x4000  }
0x166: {  	s12 =	simm.s32 $0x100;
	[sflag:s15] =	ssyncset.done $0x0  }
0x167: {  	s26 =	simm.s32 $0xD;
	s0 =	rddreg [dreg:$0xb];
	[sflag:s15] =	ssyncadd.s32 $0xFFFFC000  }
0x168: {  	[hbm4b:s0+s3] =	stream.linear.scatter [tilespmem:s12], [sflag:$0x8], $0x4000, $0x38;
	[tilespmem:$0x1C100] =	vst v63  }
0x169: {  	_ =	swait.ge [sflag:s26], $0x4000  }
0x16a: {  	[sflag:s26] =	ssyncset.done $0x0  }
0x16b: {  	[sflag:s26] =	ssyncadd.s32 $0xFFFFC000  }
0x16c: {  	v2 =	vld.msk [tilespmem:$0x60], $0xff;
	_ =	sdelay $0x4  }
0x16d: {  	v3 =	vshll.u32 v2, $0x4  }
0x16e: {  	v2 =	vand.u32 $0x7, v2;
	v3 =	vand.u32 $0xFFFFFF80, v3  }
0x16f: {  	v2 =	vor.u32 v2, v3  }
0x170: {  	v2 =	vperm.xlane v2, v0;
	_ =	sdelay $0x1  }
0x171: {  	v2 =	vadd.s32 v1, v2;
	_ =	sdelay $0x3  }
0x172: {  	s17 =	simm.s32 $0x14100  }
0x173: {  	[tilespmem:s17], [sflag:$0x6] =	stream.indirect_vreg.gather [hbm4b:s2+s3], $0x80, v2, vm0, $0xb8;
	[tilespmem:$0x1C100] =	vst v63  }
0x174: {  	s12 =	simm.s32 $0x14900  }
0x175: {  	[tilespmem:s12], [sflag:$0x6] =	stream.indirect_vreg.gather [hbm4b:s5+s3], $0x80, v2, vm0, $0xb8;
	[tilespmem:$0x1C100] =	vst v63  }
0x176: {  	s14 =	simm.s32 $0x15100  }
0x177: {  	[tilespmem:s14], [sflag:$0x6] =	stream.indirect_vreg.gather [hbm4b:s6+s3], $0x80, v2, vm0, $0xb8;
	[tilespmem:$0x1C100] =	vst v63  }
0x178: {  	s28 =	simm.s32 $0x15900  }
0x179: {  	[tilespmem:s28], [sflag:$0x6] =	stream.indirect_vreg.gather [hbm4b:s7+s3], $0x80, v2, vm0, $0xb8;
	[tilespmem:$0x1C100] =	vst v63  }
0x17a: {  	s0 =	simm.s32 $0x16100  }
0x17b: {  	[tilespmem:s0], [sflag:$0x6] =	stream.indirect_vreg.gather [hbm4b:s8+s3], $0x80, v2, vm0, $0xb8;
	[tilespmem:$0x1C100] =	vst v63  }
0x17c: {  	s14 =	simm.s32 $0x16900  }
0x17d: {  	[tilespmem:s14], [sflag:$0x6] =	stream.indirect_vreg.gather [hbm4b:s9+s3], $0x80, v2, vm0, $0xb8;
	[tilespmem:$0x1C100] =	vst v63  }
0x17e: {  	s28 =	simm.s32 $0x17100  }
0x17f: {  	[tilespmem:s28], [sflag:$0x6] =	stream.indirect_vreg.gather [hbm4b:s10+s3], $0x80, v2, vm0, $0xb8;
	[tilespmem:$0x1C100] =	vst v63  }
0x180: {  	s0 =	simm.s32 $0x17900  }
0x181: {  	[tilespmem:s0], [sflag:$0x6] =	stream.indirect_vreg.gather [hbm4b:s11+s3], $0x80, v2, vm0, $0xb8;
	[tilespmem:$0x1C100] =	vst v63  }
0x182: {  	_ =	swait.ge [sflag:s20], $0x4000  }
0x183: {  	s18 =	simm.s32 $0x4100;
	[sflag:s20] =	ssyncset.done $0x0  }
0x184: {  	s12 =	simm.s32 $0xE;
	s14 =	rddreg [dreg:$0xc];
	[sflag:s20] =	ssyncadd.s32 $0xFFFFC000  }
0x185: {  	[hbm4b:s14+s3] =	stream.linear.scatter [tilespmem:s18], [sflag:$0x9], $0x4000, $0x38;
	[tilespmem:$0x1C100] =	vst v63  }
0x186: {  	_ =	swait.ge [sflag:s12], $0x4000  }
0x187: {  	[sflag:s12] =	ssyncset.done $0x0  }
0x188: {  	[sflag:s12] =	ssyncadd.s32 $0xFFFFC000  }
0x189: {  	v2 =	vld.msk [tilespmem:$0x68], $0xff;
	_ =	sdelay $0x4  }
0x18a: {  	v3 =	vshll.u32 v2, $0x4  }
0x18b: {  	v2 =	vand.u32 $0x7, v2;
	v3 =	vand.u32 $0xFFFFFF80, v3  }
0x18c: {  	v2 =	vor.u32 v2, v3  }
0x18d: {  	v2 =	vperm.xlane v2, v0;
	_ =	sdelay $0x1  }
0x18e: {  	v2 =	vadd.s32 v1, v2;
	_ =	sdelay $0x3  }
0x18f: {  	s30 =	simm.s32 $0x18100  }
0x190: {  	[tilespmem:s30], [sflag:$0x7] =	stream.indirect_vreg.gather [hbm4b:s2+s3], $0x80, v2, vm0, $0xb8;
	[tilespmem:$0x1C100] =	vst v63  }
0x191: {  	s30 =	simm.s32 $0x18900  }
0x192: {  	[tilespmem:s30], [sflag:$0x7] =	stream.indirect_vreg.gather [hbm4b:s5+s3], $0x80, v2, vm0, $0xb8;
	[tilespmem:$0x1C100] =	vst v63  }
0x193: {  	s0 =	simm.s32 $0x19100  }
0x194: {  	[tilespmem:s0], [sflag:$0x7] =	stream.indirect_vreg.gather [hbm4b:s6+s3], $0x80, v2, vm0, $0xb8;
	[tilespmem:$0x1C100] =	vst v63  }
0x195: {  	s28 =	simm.s32 $0x19900  }
0x196: {  	[tilespmem:s28], [sflag:$0x7] =	stream.indirect_vreg.gather [hbm4b:s7+s3], $0x80, v2, vm0, $0xb8;
	[tilespmem:$0x1C100] =	vst v63  }
0x197: {  	s30 =	simm.s32 $0x1A100  }
0x198: {  	[tilespmem:s30], [sflag:$0x7] =	stream.indirect_vreg.gather [hbm4b:s8+s3], $0x80, v2, vm0, $0xb8;
	[tilespmem:$0x1C100] =	vst v63  }
0x199: {  	s0 =	simm.s32 $0x1A900  }
0x19a: {  	[tilespmem:s0], [sflag:$0x7] =	stream.indirect_vreg.gather [hbm4b:s9+s3], $0x80, v2, vm0, $0xb8;
	[tilespmem:$0x1C100] =	vst v63  }
0x19b: {  	s18 =	simm.s32 $0x1B100  }
0x19c: {  	[tilespmem:s18], [sflag:$0x7] =	stream.indirect_vreg.gather [hbm4b:s10+s3], $0x80, v2, vm0, $0xb8;
	[tilespmem:$0x1C100] =	vst v63  }
0x19d: {  	s30 =	simm.s32 $0x1B900  }
0x19e: {  	[tilespmem:s30], [sflag:$0x7] =	stream.indirect_vreg.gather [hbm4b:s11+s3], $0x80, v2, vm0, $0xb8;
	[tilespmem:$0x1C100] =	vst v63  }
0x19f: {  	_ =	swait.ge [sflag:s23], $0x4000  }
0x1a0: {  	s1 =	simm.s32 $0x8;
	[sflag:s23] =	ssyncset.done $0x0  }
0x1a1: {  	s18 =	simm.s32 $0x8100;
	s0 =	rddreg [dreg:$0xd];
	[sflag:s23] =	ssyncadd.s32 $0xFFFFC000  }
0x1a2: {  	[hbm4b:s0+s3] =	stream.linear.scatter [tilespmem:s18], [sflag:$0xA], $0x4000, $0x38;
	[tilespmem:$0x1C100] =	vst v63  }
0x1a3: {  	_ =	swait.ge [sflag:s1], $0x4000  }
0x1a4: {  	[sflag:s1] =	ssyncset.done $0x0  }
0x1a5: {  	[sflag:s1] =	ssyncadd.s32 $0xFFFFC000  }
0x1a6: {  	v2 =	vld.msk [tilespmem:$0x70], $0xff;
	_ =	sdelay $0x4  }
0x1a7: {  	v3 =	vshll.u32 v2, $0x4  }
0x1a8: {  	v2 =	vand.u32 $0x7, v2;
	v3 =	vand.u32 $0xFFFFFF80, v3  }
0x1a9: {  	v2 =	vor.u32 v2, v3  }
0x1aa: {  	v2 =	vperm.xlane v2, v0;
	_ =	sdelay $0x1  }
0x1ab: {  	v2 =	vadd.s32 v1, v2;
	_ =	sdelay $0x3  }
0x1ac: {  	s31 =	simm.s32 $0x100  }
0x1ad: {  	[tilespmem:s31], [sflag:$0x1] =	stream.indirect_vreg.gather [hbm4b:s2+s3], $0x80, v2, vm0, $0xb8;
	[tilespmem:$0x1C100] =	vst v63  }
0x1ae: {  	s28 =	simm.s32 $0x900  }
0x1af: {  	[tilespmem:s28], [sflag:$0x1] =	stream.indirect_vreg.gather [hbm4b:s5+s3], $0x80, v2, vm0, $0xb8;
	[tilespmem:$0x1C100] =	vst v63  }
0x1b0: {  	s30 =	simm.s32 $0x1100  }
0x1b1: {  	[tilespmem:s30], [sflag:$0x1] =	stream.indirect_vreg.gather [hbm4b:s6+s3], $0x80, v2, vm0, $0xb8;
	[tilespmem:$0x1C100] =	vst v63  }
0x1b2: {  	s31 =	simm.s32 $0x1900  }
0x1b3: {  	[tilespmem:s31], [sflag:$0x1] =	stream.indirect_vreg.gather [hbm4b:s7+s3], $0x80, v2, vm0, $0xb8;
	[tilespmem:$0x1C100] =	vst v63  }
0x1b4: {  	s28 =	simm.s32 $0x2100  }
0x1b5: {  	[tilespmem:s28], [sflag:$0x1] =	stream.indirect_vreg.gather [hbm4b:s8+s3], $0x80, v2, vm0, $0xb8;
	[tilespmem:$0x1C100] =	vst v63  }
0x1b6: {  	s30 =	simm.s32 $0x2900  }
0x1b7: {  	[tilespmem:s30], [sflag:$0x1] =	stream.indirect_vreg.gather [hbm4b:s9+s3], $0x80, v2, vm0, $0xb8;
	[tilespmem:$0x1C100] =	vst v63  }
0x1b8: {  	s31 =	simm.s32 $0x3100  }
0x1b9: {  	[tilespmem:s31], [sflag:$0x1] =	stream.indirect_vreg.gather [hbm4b:s10+s3], $0x80, v2, vm0, $0xb8;
	[tilespmem:$0x1C100] =	vst v63  }
0x1ba: {  	s28 =	simm.s32 $0x3900  }
0x1bb: {  	[tilespmem:s28], [sflag:$0x1] =	stream.indirect_vreg.gather [hbm4b:s11+s3], $0x80, v2, vm0, $0xb8;
	[tilespmem:$0x1C100] =	vst v63  }
0x1bc: {  	_ =	swait.ge [sflag:s16], $0x4000  }
0x1bd: {  	[sflag:s16] =	ssyncset.done $0x0  }
0x1be: {  	s31 =	simm.s32 $0xC100;
	s30 =	rddreg [dreg:$0xe];
	[sflag:s16] =	ssyncadd.s32 $0xFFFFC000  }
0x1bf: {  	[hbm4b:s30+s3] =	stream.linear.scatter [tilespmem:s31], [sflag:$0xB], $0x4000, $0x38;
	[tilespmem:$0x1C100] =	vst v63  }
0x1c0: {  	_ =	swait.ge [sflag:s19], $0x4000  }
0x1c1: {  	[sflag:s19] =	ssyncset.done $0x0  }
0x1c2: {  	[sflag:s19] =	ssyncadd.s32 $0xFFFFC000  }
0x1c3: {  	v2 =	vld.msk [tilespmem:$0x78], $0xff;
	_ =	sdelay $0x4  }
0x1c4: {  	v3 =	vshll.u32 v2, $0x4  }
0x1c5: {  	v2 =	vand.u32 $0x7, v2;
	v3 =	vand.u32 $0xFFFFFF80, v3  }
0x1c6: {  	v2 =	vor.u32 v2, v3  }
0x1c7: {  	v2 =	vperm.xlane v2, v0;
	_ =	sdelay $0x1  }
0x1c8: {  	v2 =	vadd.s32 v1, v2;
	_ =	sdelay $0x3  }
0x1c9: {  	s14 =	simm.s32 $0x4100  }
0x1ca: {  	[tilespmem:s14], [sflag:$0x2] =	stream.indirect_vreg.gather [hbm4b:s2+s3], $0x80, v2, vm0, $0xb8;
	[tilespmem:$0x1C100] =	vst v63  }
0x1cb: {  	s28 =	simm.s32 $0x4900  }
0x1cc: {  	[tilespmem:s28], [sflag:$0x2] =	stream.indirect_vreg.gather [hbm4b:s5+s3], $0x80, v2, vm0, $0xb8;
	[tilespmem:$0x1C100] =	vst v63  }
0x1cd: {  	s31 =	simm.s32 $0x5100  }
0x1ce: {  	[tilespmem:s31], [sflag:$0x2] =	stream.indirect_vreg.gather [hbm4b:s6+s3], $0x80, v2, vm0, $0xb8;
	[tilespmem:$0x1C100] =	vst v63  }
0x1cf: {  	s14 =	simm.s32 $0x5900  }
0x1d0: {  	[tilespmem:s14], [sflag:$0x2] =	stream.indirect_vreg.gather [hbm4b:s7+s3], $0x80, v2, vm0, $0xb8;
	[tilespmem:$0x1C100] =	vst v63  }
0x1d1: {  	s28 =	simm.s32 $0x6100  }
0x1d2: {  	[tilespmem:s28], [sflag:$0x2] =	stream.indirect_vreg.gather [hbm4b:s8+s3], $0x80, v2, vm0, $0xb8;
	[tilespmem:$0x1C100] =	vst v63  }
0x1d3: {  	s31 =	simm.s32 $0x6900  }
0x1d4: {  	[tilespmem:s31], [sflag:$0x2] =	stream.indirect_vreg.gather [hbm4b:s9+s3], $0x80, v2, vm0, $0xb8;
	[tilespmem:$0x1C100] =	vst v63  }
0x1d5: {  	s14 =	simm.s32 $0x7100  }
0x1d6: {  	[tilespmem:s14], [sflag:$0x2] =	stream.indirect_vreg.gather [hbm4b:s10+s3], $0x80, v2, vm0, $0xb8;
	[tilespmem:$0x1C100] =	vst v63  }
0x1d7: {  	s18 =	simm.s32 $0x7900  }
0x1d8: {  	[tilespmem:s18], [sflag:$0x2] =	stream.indirect_vreg.gather [hbm4b:s11+s3], $0x80, v2, vm0, $0xb8;
	[tilespmem:$0x1C100] =	vst v63  }
0x1d9: {  	_ =	swait.ge [sflag:s25], $0x4000  }
0x1da: {  	[sflag:s25] =	ssyncset.done $0x0  }
0x1db: {  	s14 =	simm.s32 $0x10100;
	s31 =	rddreg [dreg:$0xf];
	[sflag:s25] =	ssyncadd.s32 $0xFFFFC000  }
0x1dc: {  	[hbm4b:s31+s3] =	stream.linear.scatter [tilespmem:s14], [sflag:$0xC], $0x4000, $0x38;
	[tilespmem:$0x1C100] =	vst v63  }
0x1dd: {  	_ =	swait.ge [sflag:s21], $0x4000  }
0x1de: {  	[sflag:s21] =	ssyncset.done $0x0  }
0x1df: {  	[sflag:s21] =	ssyncadd.s32 $0xFFFFC000  }
0x1e0: {  	v2 =	vld.msk [tilespmem:$0x80], $0xff;
	_ =	sdelay $0x4  }
0x1e1: {  	v3 =	vshll.u32 v2, $0x4  }
0x1e2: {  	v2 =	vand.u32 $0x7, v2;
	v3 =	vand.u32 $0xFFFFFF80, v3  }
0x1e3: {  	v2 =	vor.u32 v2, v3  }
0x1e4: {  	v2 =	vperm.xlane v2, v0;
	_ =	sdelay $0x1  }
0x1e5: {  	v2 =	vadd.s32 v1, v2;
	_ =	sdelay $0x3  }
0x1e6: {  	s0 =	simm.s32 $0x8100  }
0x1e7: {  	[tilespmem:s0], [sflag:$0x3] =	stream.indirect_vreg.gather [hbm4b:s2+s3], $0x80, v2, vm0, $0xb8;
	[tilespmem:$0x1C100] =	vst v63  }
0x1e8: {  	s18 =	simm.s32 $0x8900  }
0x1e9: {  	[tilespmem:s18], [sflag:$0x3] =	stream.indirect_vreg.gather [hbm4b:s5+s3], $0x80, v2, vm0, $0xb8;
	[tilespmem:$0x1C100] =	vst v63  }
0x1ea: {  	_ = 	snop  }
0x1eb: {  	[tilespmem:s22], [sflag:$0x3] =	stream.indirect_vreg.gather [hbm4b:s6+s3], $0x80, v2, vm0, $0xb8;
	[tilespmem:$0x1C100] =	vst v63  }
0x1ec: {  	s22 =	simm.s32 $0x9900  }
0x1ed: {  	[tilespmem:s22], [sflag:$0x3] =	stream.indirect_vreg.gather [hbm4b:s7+s3], $0x80, v2, vm0, $0xb8;
	[tilespmem:$0x1C100] =	vst v63  }
0x1ee: {  	s28 =	simm.s32 $0xA100  }
0x1ef: {  	[tilespmem:s28], [sflag:$0x3] =	stream.indirect_vreg.gather [hbm4b:s8+s3], $0x80, v2, vm0, $0xb8;
	[tilespmem:$0x1C100] =	vst v63  }
0x1f0: {  	s31 =	simm.s32 $0xA900  }
0x1f1: {  	[tilespmem:s31], [sflag:$0x3] =	stream.indirect_vreg.gather [hbm4b:s9+s3], $0x80, v2, vm0, $0xb8;
	[tilespmem:$0x1C100] =	vst v63  }
0x1f2: {  	s0 =	simm.s32 $0xB100  }
0x1f3: {  	[tilespmem:s0], [sflag:$0x3] =	stream.indirect_vreg.gather [hbm4b:s10+s3], $0x80, v2, vm0, $0xb8;
	[tilespmem:$0x1C100] =	vst v63  }
0x1f4: {  	s18 =	simm.s32 $0xB900  }
0x1f5: {  	[tilespmem:s18], [sflag:$0x3] =	stream.indirect_vreg.gather [hbm4b:s11+s3], $0x80, v2, vm0, $0xb8;
	[tilespmem:$0x1C100] =	vst v63  }
0x1f6: {  	_ =	swait.ge [sflag:s29], $0x4000  }
0x1f7: {  	[sflag:s29] =	ssyncset.done $0x0  }
0x1f8: {  	s22 =	rddreg [dreg:$0x10];
	[sflag:s29] =	ssyncadd.s32 $0xFFFFC000  }
0x1f9: {  	[hbm4b:s22+s3] =	stream.linear.scatter [tilespmem:s17], [sflag:$0xD], $0x4000, $0x38;
	[tilespmem:$0x1C100] =	vst v63  }
0x1fa: {  	_ =	swait.ge [sflag:s4], $0x4000  }
0x1fb: {  	[sflag:s4] =	ssyncset.done $0x0  }
0x1fc: {  	[sflag:s4] =	ssyncadd.s32 $0xFFFFC000  }
0x1fd: {  	v2 =	vld.msk [tilespmem:$0x88], $0xff;
	_ =	sdelay $0x4  }
0x1fe: {  	v3 =	vshll.u32 v2, $0x4  }
0x1ff: {  	v2 =	vand.u32 $0x7, v2;
	v3 =	vand.u32 $0xFFFFFF80, v3  }
0x200: {  	v2 =	vor.u32 v2, v3  }
0x201: {  	v2 =	vperm.xlane v2, v0;
	_ =	sdelay $0x1  }
0x202: {  	v2 =	vadd.s32 v1, v2;
	_ =	sdelay $0x3  }
0x203: {  	s30 =	simm.s32 $0xC100  }
0x204: {  	[tilespmem:s30], [sflag:$0x4] =	stream.indirect_vreg.gather [hbm4b:s2+s3], $0x80, v2, vm0, $0xb8;
	[tilespmem:$0x1C100] =	vst v63  }
0x205: {  	s31 =	simm.s32 $0xC900  }
0x206: {  	[tilespmem:s31], [sflag:$0x4] =	stream.indirect_vreg.gather [hbm4b:s5+s3], $0x80, v2, vm0, $0xb8;
	[tilespmem:$0x1C100] =	vst v63  }
0x207: {  	s0 =	simm.s32 $0xD100  }
0x208: {  	[tilespmem:s0], [sflag:$0x4] =	stream.indirect_vreg.gather [hbm4b:s6+s3], $0x80, v2, vm0, $0xb8;
	[tilespmem:$0x1C100] =	vst v63  }
0x209: {  	s18 =	simm.s32 $0xD900  }
0x20a: {  	[tilespmem:s18], [sflag:$0x4] =	stream.indirect_vreg.gather [hbm4b:s7+s3], $0x80, v2, vm0, $0xb8;
	[tilespmem:$0x1C100] =	vst v63  }
0x20b: {  	s22 =	simm.s32 $0xE100  }
0x20c: {  	[tilespmem:s22], [sflag:$0x4] =	stream.indirect_vreg.gather [hbm4b:s8+s3], $0x80, v2, vm0, $0xb8;
	[tilespmem:$0x1C100] =	vst v63  }
0x20d: {  	s31 =	simm.s32 $0xE900  }
0x20e: {  	[tilespmem:s31], [sflag:$0x4] =	stream.indirect_vreg.gather [hbm4b:s9+s3], $0x80, v2, vm0, $0xb8;
	[tilespmem:$0x1C100] =	vst v63  }
0x20f: {  	s0 =	simm.s32 $0xF100  }
0x210: {  	[tilespmem:s0], [sflag:$0x4] =	stream.indirect_vreg.gather [hbm4b:s10+s3], $0x80, v2, vm0, $0xb8;
	[tilespmem:$0x1C100] =	vst v63  }
0x211: {  	s18 =	simm.s32 $0xF900  }
0x212: {  	[tilespmem:s18], [sflag:$0x4] =	stream.indirect_vreg.gather [hbm4b:s11+s3], $0x80, v2, vm0, $0xb8;
	[tilespmem:$0x1C100] =	vst v63  }
0x213: {  	_ =	swait.ge [sflag:s24], $0x4000  }
0x214: {  	s13 =	simm.s32 $0xC;
	[sflag:s24] =	ssyncset.done $0x0  }
0x215: {  	s18 =	simm.s32 $0x18100;
	s22 =	rddreg [dreg:$0x11];
	[sflag:s24] =	ssyncadd.s32 $0xFFFFC000  }
0x216: {  	[hbm4b:s22+s3] =	stream.linear.scatter [tilespmem:s18], [sflag:$0xE], $0x4000, $0x38;
	[tilespmem:$0x1C100] =	vst v63  }
0x217: {  	_ =	swait.ge [sflag:s13], $0x4000  }
0x218: {  	[sflag:s13] =	ssyncset.done $0x0  }
0x219: {  	[sflag:s13] =	ssyncadd.s32 $0xFFFFC000  }
0x21a: {  	v2 =	vld.msk [tilespmem:$0x90], $0xff;
	_ =	sdelay $0x4  }
0x21b: {  	v3 =	vshll.u32 v2, $0x4  }
0x21c: {  	v2 =	vand.u32 $0x7, v2;
	v3 =	vand.u32 $0xFFFFFF80, v3  }
0x21d: {  	v2 =	vor.u32 v2, v3  }
0x21e: {  	v2 =	vperm.xlane v2, v0;
	_ =	sdelay $0x1  }
0x21f: {  	v2 =	vadd.s32 v1, v2;
	_ =	sdelay $0x4  }
0x220: {  	[tilespmem:s14], [sflag:$0x5] =	stream.indirect_vreg.gather [hbm4b:s2+s3], $0x80, v2, vm0, $0xb8;
	[tilespmem:$0x1C100] =	vst v63  }
0x221: {  	s31 =	simm.s32 $0x10900  }
0x222: {  	[tilespmem:s31], [sflag:$0x5] =	stream.indirect_vreg.gather [hbm4b:s5+s3], $0x80, v2, vm0, $0xb8;
	[tilespmem:$0x1C100] =	vst v63  }
0x223: {  	s13 =	simm.s32 $0x11100  }
0x224: {  	[tilespmem:s13], [sflag:$0x5] =	stream.indirect_vreg.gather [hbm4b:s6+s3], $0x80, v2, vm0, $0xb8;
	[tilespmem:$0x1C100] =	vst v63  }
0x225: {  	s14 =	simm.s32 $0x11900  }
0x226: {  	[tilespmem:s14], [sflag:$0x5] =	stream.indirect_vreg.gather [hbm4b:s7+s3], $0x80, v2, vm0, $0xb8;
	[tilespmem:$0x1C100] =	vst v63  }
0x227: {  	s22 =	simm.s32 $0x12100  }
0x228: {  	[tilespmem:s22], [sflag:$0x5] =	stream.indirect_vreg.gather [hbm4b:s8+s3], $0x80, v2, vm0, $0xb8;
	[tilespmem:$0x1C100] =	vst v63  }
0x229: {  	s31 =	simm.s32 $0x12900  }
0x22a: {  	[tilespmem:s31], [sflag:$0x5] =	stream.indirect_vreg.gather [hbm4b:s9+s3], $0x80, v2, vm0, $0xb8;
	[tilespmem:$0x1C100] =	vst v63  }
0x22b: {  	s0 =	simm.s32 $0x13100  }
0x22c: {  	[tilespmem:s0], [sflag:$0x5] =	stream.indirect_vreg.gather [hbm4b:s10+s3], $0x80, v2, vm0, $0xb8;
	[tilespmem:$0x1C100] =	vst v63  }
0x22d: {  	s13 =	simm.s32 $0x13900  }
0x22e: {  	[tilespmem:s13], [sflag:$0x5] =	stream.indirect_vreg.gather [hbm4b:s11+s3], $0x80, v2, vm0, $0xb8;
	[tilespmem:$0x1C100] =	vst v63  }
0x22f: {  	_ =	swait.ge [sflag:s15], $0x4000  }
0x230: {  	[sflag:s15] =	ssyncset.done $0x0  }
0x231: {  	s31 =	simm.s32 $0x100;
	s14 =	rddreg [dreg:$0x12];
	[sflag:s15] =	ssyncadd.s32 $0xFFFFC000  }
0x232: {  	[hbm4b:s14+s3] =	stream.linear.scatter [tilespmem:s31], [sflag:$0x8], $0x4000, $0x38;
	[tilespmem:$0x1C100] =	vst v63  }
0x233: {  	_ =	swait.ge [sflag:s26], $0x4000  }
0x234: {  	[sflag:s26] =	ssyncset.done $0x0  }
0x235: {  	[sflag:s26] =	ssyncadd.s32 $0xFFFFC000  }
0x236: {  	v2 =	vld.msk [tilespmem:$0x98], $0xff;
	_ =	sdelay $0x4  }
0x237: {  	v3 =	vshll.u32 v2, $0x4  }
0x238: {  	v2 =	vand.u32 $0x7, v2;
	v3 =	vand.u32 $0xFFFFFF80, v3  }
0x239: {  	v2 =	vor.u32 v2, v3  }
0x23a: {  	v2 =	vperm.xlane v2, v0;
	_ =	sdelay $0x1  }
0x23b: {  	v2 =	vadd.s32 v1, v2;
	_ =	sdelay $0x4  }
0x23c: {  	[tilespmem:s17], [sflag:$0x6] =	stream.indirect_vreg.gather [hbm4b:s2+s3], $0x80, v2, vm0, $0xb8;
	[tilespmem:$0x1C100] =	vst v63  }
0x23d: {  	s22 =	simm.s32 $0x14900  }
0x23e: {  	[tilespmem:s22], [sflag:$0x6] =	stream.indirect_vreg.gather [hbm4b:s5+s3], $0x80, v2, vm0, $0xb8;
	[tilespmem:$0x1C100] =	vst v63  }
0x23f: {  	s28 =	simm.s32 $0x15100  }
0x240: {  	[tilespmem:s28], [sflag:$0x6] =	stream.indirect_vreg.gather [hbm4b:s6+s3], $0x80, v2, vm0, $0xb8;
	[tilespmem:$0x1C100] =	vst v63  }
0x241: {  	s0 =	simm.s32 $0x15900  }
0x242: {  	[tilespmem:s0], [sflag:$0x6] =	stream.indirect_vreg.gather [hbm4b:s7+s3], $0x80, v2, vm0, $0xb8;
	[tilespmem:$0x1C100] =	vst v63  }
0x243: {  	s17 =	simm.s32 $0x16100  }
0x244: {  	[tilespmem:s17], [sflag:$0x6] =	stream.indirect_vreg.gather [hbm4b:s8+s3], $0x80, v2, vm0, $0xb8;
	[tilespmem:$0x1C100] =	vst v63  }
0x245: {  	s22 =	simm.s32 $0x16900  }
0x246: {  	[tilespmem:s22], [sflag:$0x6] =	stream.indirect_vreg.gather [hbm4b:s9+s3], $0x80, v2, vm0, $0xb8;
	[tilespmem:$0x1C100] =	vst v63  }
0x247: {  	s28 =	simm.s32 $0x17100  }
0x248: {  	[tilespmem:s28], [sflag:$0x6] =	stream.indirect_vreg.gather [hbm4b:s10+s3], $0x80, v2, vm0, $0xb8;
	[tilespmem:$0x1C100] =	vst v63  }
0x249: {  	s0 =	simm.s32 $0x17900  }
0x24a: {  	[tilespmem:s0], [sflag:$0x6] =	stream.indirect_vreg.gather [hbm4b:s11+s3], $0x80, v2, vm0, $0xb8;
	[tilespmem:$0x1C100] =	vst v63  }
0x24b: {  	_ =	swait.ge [sflag:s20], $0x4000  }
0x24c: {  	[sflag:s20] =	ssyncset.done $0x0  }
0x24d: {  	s0 =	simm.s32 $0x4100;
	s17 =	rddreg [dreg:$0x13];
	[sflag:s20] =	ssyncadd.s32 $0xFFFFC000  }
0x24e: {  	[hbm4b:s17+s3] =	stream.linear.scatter [tilespmem:s0], [sflag:$0x9], $0x4000, $0x38;
	[tilespmem:$0x1C100] =	vst v63  }
0x24f: {  	_ =	swait.ge [sflag:s12], $0x4000  }
0x250: {  	[sflag:s12] =	ssyncset.done $0x0  }
0x251: {  	[sflag:s12] =	ssyncadd.s32 $0xFFFFC000  }
0x252: {  	v2 =	vld.msk [tilespmem:$0xA0], $0xff;
	_ =	sdelay $0x4  }
0x253: {  	v3 =	vshll.u32 v2, $0x4  }
0x254: {  	v2 =	vand.u32 $0x7, v2;
	v3 =	vand.u32 $0xFFFFFF80, v3  }
0x255: {  	v2 =	vor.u32 v2, v3  }
0x256: {  	v2 =	vperm.xlane v2, v0;
	_ =	sdelay $0x1  }
0x257: {  	v2 =	vadd.s32 v1, v2;
	_ =	sdelay $0x4  }
0x258: {  	[tilespmem:s18], [sflag:$0x7] =	stream.indirect_vreg.gather [hbm4b:s2+s3], $0x80, v2, vm0, $0xb8;
	[tilespmem:$0x1C100] =	vst v63  }
0x259: {  	s22 =	simm.s32 $0x18900  }
0x25a: {  	[tilespmem:s22], [sflag:$0x7] =	stream.indirect_vreg.gather [hbm4b:s5+s3], $0x80, v2, vm0, $0xb8;
	[tilespmem:$0x1C100] =	vst v63  }
0x25b: {  	s28 =	simm.s32 $0x19100  }
0x25c: {  	[tilespmem:s28], [sflag:$0x7] =	stream.indirect_vreg.gather [hbm4b:s6+s3], $0x80, v2, vm0, $0xb8;
	[tilespmem:$0x1C100] =	vst v63  }
0x25d: {  	s17 =	simm.s32 $0x19900  }
0x25e: {  	[tilespmem:s17], [sflag:$0x7] =	stream.indirect_vreg.gather [hbm4b:s7+s3], $0x80, v2, vm0, $0xb8;
	[tilespmem:$0x1C100] =	vst v63  }
0x25f: {  	s18 =	simm.s32 $0x1A100  }
0x260: {  	[tilespmem:s18], [sflag:$0x7] =	stream.indirect_vreg.gather [hbm4b:s8+s3], $0x80, v2, vm0, $0xb8;
	[tilespmem:$0x1C100] =	vst v63  }
0x261: {  	s22 =	simm.s32 $0x1A900  }
0x262: {  	[tilespmem:s22], [sflag:$0x7] =	stream.indirect_vreg.gather [hbm4b:s9+s3], $0x80, v2, vm0, $0xb8;
	[tilespmem:$0x1C100] =	vst v63  }
0x263: {  	s14 =	simm.s32 $0x1B100  }
0x264: {  	[tilespmem:s14], [sflag:$0x7] =	stream.indirect_vreg.gather [hbm4b:s10+s3], $0x80, v2, vm0, $0xb8;
	[tilespmem:$0x1C100] =	vst v63  }
0x265: {  	s17 =	simm.s32 $0x1B900  }
0x266: {  	[tilespmem:s17], [sflag:$0x7] =	stream.indirect_vreg.gather [hbm4b:s11+s3], $0x80, v2, vm0, $0xb8;
	[tilespmem:$0x1C100] =	vst v63  }
0x267: {  	_ =	swait.ge [sflag:s23], $0x4000  }
0x268: {  	[sflag:s23] =	ssyncset.done $0x0  }
0x269: {  	s17 =	simm.s32 $0x8100;
	s18 =	rddreg [dreg:$0x14];
	[sflag:s23] =	ssyncadd.s32 $0xFFFFC000  }
0x26a: {  	[hbm4b:s18+s3] =	stream.linear.scatter [tilespmem:s17], [sflag:$0xA], $0x4000, $0x38;
	[tilespmem:$0x1C100] =	vst v63  }
0x26b: {  	_ =	swait.ge [sflag:s1], $0x4000  }
0x26c: {  	[sflag:s1] =	ssyncset.done $0x0  }
0x26d: {  	[sflag:s1] =	ssyncadd.s32 $0xFFFFC000  }
0x26e: {  	v2 =	vld.msk [tilespmem:$0xA8], $0xff;
	_ =	sdelay $0x4  }
0x26f: {  	v3 =	vshll.u32 v2, $0x4  }
0x270: {  	v2 =	vand.u32 $0x7, v2;
	v3 =	vand.u32 $0xFFFFFF80, v3  }
0x271: {  	v2 =	vor.u32 v2, v3  }
0x272: {  	v2 =	vperm.xlane v2, v0;
	_ =	sdelay $0x1  }
0x273: {  	v2 =	vadd.s32 v1, v2;
	_ =	sdelay $0x4  }
0x274: {  	[tilespmem:s31], [sflag:$0x1] =	stream.indirect_vreg.gather [hbm4b:s2+s3], $0x80, v2, vm0, $0xb8;
	[tilespmem:$0x1C100] =	vst v63  }
0x275: {  	s22 =	simm.s32 $0x900  }
0x276: {  	[tilespmem:s22], [sflag:$0x1] =	stream.indirect_vreg.gather [hbm4b:s5+s3], $0x80, v2, vm0, $0xb8;
	[tilespmem:$0x1C100] =	vst v63  }
0x277: {  	s28 =	simm.s32 $0x1100  }
0x278: {  	[tilespmem:s28], [sflag:$0x1] =	stream.indirect_vreg.gather [hbm4b:s6+s3], $0x80, v2, vm0, $0xb8;
	[tilespmem:$0x1C100] =	vst v63  }
0x279: {  	s31 =	simm.s32 $0x1900  }
0x27a: {  	[tilespmem:s31], [sflag:$0x1] =	stream.indirect_vreg.gather [hbm4b:s7+s3], $0x80, v2, vm0, $0xb8;
	[tilespmem:$0x1C100] =	vst v63  }
0x27b: {  	s1 =	simm.s32 $0x2100  }
0x27c: {  	[tilespmem:s1], [sflag:$0x1] =	stream.indirect_vreg.gather [hbm4b:s8+s3], $0x80, v2, vm0, $0xb8;
	[tilespmem:$0x1C100] =	vst v63  }
0x27d: {  	s18 =	simm.s32 $0x2900  }
0x27e: {  	[tilespmem:s18], [sflag:$0x1] =	stream.indirect_vreg.gather [hbm4b:s9+s3], $0x80, v2, vm0, $0xb8;
	[tilespmem:$0x1C100] =	vst v63  }
0x27f: {  	s22 =	simm.s32 $0x3100  }
0x280: {  	[tilespmem:s22], [sflag:$0x1] =	stream.indirect_vreg.gather [hbm4b:s10+s3], $0x80, v2, vm0, $0xb8;
	[tilespmem:$0x1C100] =	vst v63  }
0x281: {  	s28 =	simm.s32 $0x3900  }
0x282: {  	[tilespmem:s28], [sflag:$0x1] =	stream.indirect_vreg.gather [hbm4b:s11+s3], $0x80, v2, vm0, $0xb8;
	[tilespmem:$0x1C100] =	vst v63  }
0x283: {  	_ =	swait.ge [sflag:s16], $0x4000  }
0x284: {  	[sflag:s16] =	ssyncset.done $0x0  }
0x285: {  	s31 =	rddreg [dreg:$0x15];
	[sflag:s16] =	ssyncadd.s32 $0xFFFFC000  }
0x286: {  	[hbm4b:s31+s3] =	stream.linear.scatter [tilespmem:s30], [sflag:$0xB], $0x4000, $0x38;
	[tilespmem:$0x1C100] =	vst v63  }
0x287: {  	_ =	swait.ge [sflag:s19], $0x4000  }
0x288: {  	[sflag:s19] =	ssyncset.done $0x0  }
0x289: {  	[sflag:s19] =	ssyncadd.s32 $0xFFFFC000  }
0x28a: {  	v2 =	vld.msk [tilespmem:$0xB0], $0xff;
	_ =	sdelay $0x4  }
0x28b: {  	v3 =	vshll.u32 v2, $0x4  }
0x28c: {  	v2 =	vand.u32 $0x7, v2;
	v3 =	vand.u32 $0xFFFFFF80, v3  }
0x28d: {  	v2 =	vor.u32 v2, v3  }
0x28e: {  	v2 =	vperm.xlane v2, v0;
	_ =	sdelay $0x1  }
0x28f: {  	v2 =	vadd.s32 v1, v2;
	_ =	sdelay $0x4  }
0x290: {  	[tilespmem:s0], [sflag:$0x2] =	stream.indirect_vreg.gather [hbm4b:s2+s3], $0x80, v2, vm0, $0xb8;
	[tilespmem:$0x1C100] =	vst v63  }
0x291: {  	s0 =	simm.s32 $0x4900  }
0x292: {  	[tilespmem:s0], [sflag:$0x2] =	stream.indirect_vreg.gather [hbm4b:s5+s3], $0x80, v2, vm0, $0xb8;
	[tilespmem:$0x1C100] =	vst v63  }
0x293: {  	s1 =	simm.s32 $0x5100  }
0x294: {  	[tilespmem:s1], [sflag:$0x2] =	stream.indirect_vreg.gather [hbm4b:s6+s3], $0x80, v2, vm0, $0xb8;
	[tilespmem:$0x1C100] =	vst v63  }
0x295: {  	s18 =	simm.s32 $0x5900  }
0x296: {  	[tilespmem:s18], [sflag:$0x2] =	stream.indirect_vreg.gather [hbm4b:s7+s3], $0x80, v2, vm0, $0xb8;
	[tilespmem:$0x1C100] =	vst v63  }
0x297: {  	s22 =	simm.s32 $0x6100  }
0x298: {  	[tilespmem:s22], [sflag:$0x2] =	stream.indirect_vreg.gather [hbm4b:s8+s3], $0x80, v2, vm0, $0xb8;
	[tilespmem:$0x1C100] =	vst v63  }
0x299: {  	s28 =	simm.s32 $0x6900  }
0x29a: {  	[tilespmem:s28], [sflag:$0x2] =	stream.indirect_vreg.gather [hbm4b:s9+s3], $0x80, v2, vm0, $0xb8;
	[tilespmem:$0x1C100] =	vst v63  }
0x29b: {  	s31 =	simm.s32 $0x7100  }
0x29c: {  	[tilespmem:s31], [sflag:$0x2] =	stream.indirect_vreg.gather [hbm4b:s10+s3], $0x80, v2, vm0, $0xb8;
	[tilespmem:$0x1C100] =	vst v63  }
0x29d: {  	s0 =	simm.s32 $0x7900  }
0x29e: {  	[tilespmem:s0], [sflag:$0x2] =	stream.indirect_vreg.gather [hbm4b:s11+s3], $0x80, v2, vm0, $0xb8;
	[tilespmem:$0x1C100] =	vst v63  }
0x29f: {  	_ =	swait.ge [sflag:s25], $0x4000  }
0x2a0: {  	[sflag:s25] =	ssyncset.done $0x0  }
0x2a1: {  	s0 =	simm.s32 $0x10100;
	s1 =	rddreg [dreg:$0x16];
	[sflag:s25] =	ssyncadd.s32 $0xFFFFC000  }
0x2a2: {  	[hbm4b:s1+s3] =	stream.linear.scatter [tilespmem:s0], [sflag:$0xC], $0x4000, $0x38;
	[tilespmem:$0x1C100] =	vst v63  }
0x2a3: {  	_ =	swait.ge [sflag:s21], $0x4000  }
0x2a4: {  	[sflag:s21] =	ssyncset.done $0x0  }
0x2a5: {  	[sflag:s21] =	ssyncadd.s32 $0xFFFFC000  }
0x2a6: {  	v2 =	vld.msk [tilespmem:$0xB8], $0xff;
	_ =	sdelay $0x4  }
0x2a7: {  	v3 =	vshll.u32 v2, $0x4  }
0x2a8: {  	v2 =	vand.u32 $0x7, v2;
	v3 =	vand.u32 $0xFFFFFF80, v3  }
0x2a9: {  	v2 =	vor.u32 v2, v3  }
0x2aa: {  	v2 =	vperm.xlane v2, v0;
	_ =	sdelay $0x1  }
0x2ab: {  	v2 =	vadd.s32 v1, v2;
	_ =	sdelay $0x4  }
0x2ac: {  	[tilespmem:s17], [sflag:$0x3] =	stream.indirect_vreg.gather [hbm4b:s2+s3], $0x80, v2, vm0, $0xb8;
	[tilespmem:$0x1C100] =	vst v63  }
0x2ad: {  	s31 =	simm.s32 $0x8900  }
0x2ae: {  	[tilespmem:s31], [sflag:$0x3] =	stream.indirect_vreg.gather [hbm4b:s5+s3], $0x80, v2, vm0, $0xb8;
	[tilespmem:$0x1C100] =	vst v63  }
0x2af: {  	s14 =	simm.s32 $0x9100  }
0x2b0: {  	[tilespmem:s14], [sflag:$0x3] =	stream.indirect_vreg.gather [hbm4b:s6+s3], $0x80, v2, vm0, $0xb8;
	[tilespmem:$0x1C100] =	vst v63  }
0x2b1: {  	s17 =	simm.s32 $0x9900  }
0x2b2: {  	[tilespmem:s17], [sflag:$0x3] =	stream.indirect_vreg.gather [hbm4b:s7+s3], $0x80, v2, vm0, $0xb8;
	[tilespmem:$0x1C100] =	vst v63  }
0x2b3: {  	s18 =	simm.s32 $0xA100  }
0x2b4: {  	[tilespmem:s18], [sflag:$0x3] =	stream.indirect_vreg.gather [hbm4b:s8+s3], $0x80, v2, vm0, $0xb8;
	[tilespmem:$0x1C100] =	vst v63  }
0x2b5: {  	s28 =	simm.s32 $0xA900  }
0x2b6: {  	[tilespmem:s28], [sflag:$0x3] =	stream.indirect_vreg.gather [hbm4b:s9+s3], $0x80, v2, vm0, $0xb8;
	[tilespmem:$0x1C100] =	vst v63  }
0x2b7: {  	s1 =	simm.s32 $0xB100  }
0x2b8: {  	[tilespmem:s1], [sflag:$0x3] =	stream.indirect_vreg.gather [hbm4b:s10+s3], $0x80, v2, vm0, $0xb8;
	[tilespmem:$0x1C100] =	vst v63  }
0x2b9: {  	s17 =	simm.s32 $0xB900  }
0x2ba: {  	[tilespmem:s17], [sflag:$0x3] =	stream.indirect_vreg.gather [hbm4b:s11+s3], $0x80, v2, vm0, $0xb8;
	[tilespmem:$0x1C100] =	vst v63  }
0x2bb: {  	_ =	swait.ge [sflag:s29], $0x4000  }
0x2bc: {  	[sflag:s29] =	ssyncset.done $0x0  }
0x2bd: {  	s17 =	simm.s32 $0x14100;
	s18 =	rddreg [dreg:$0x17];
	[sflag:s29] =	ssyncadd.s32 $0xFFFFC000  }
0x2be: {  	[hbm4b:s18+s3] =	stream.linear.scatter [tilespmem:s17], [sflag:$0xD], $0x4000, $0x38;
	[tilespmem:$0x1C100] =	vst v63  }
0x2bf: {  	_ =	swait.ge [sflag:s4], $0x4000  }
0x2c0: {  	[sflag:s4] =	ssyncset.done $0x0  }
0x2c1: {  	[sflag:s4] =	ssyncadd.s32 $0xFFFFC000  }
0x2c2: {  	v2 =	vld.msk [tilespmem:$0xC0], $0xff;
	_ =	sdelay $0x4  }
0x2c3: {  	v3 =	vshll.u32 v2, $0x4  }
0x2c4: {  	v2 =	vand.u32 $0x7, v2;
	v3 =	vand.u32 $0xFFFFFF80, v3  }
0x2c5: {  	v2 =	vor.u32 v2, v3  }
0x2c6: {  	v2 =	vperm.xlane v2, v0;
	_ =	sdelay $0x1  }
0x2c7: {  	v2 =	vadd.s32 v1, v2;
	_ =	sdelay $0x4  }
0x2c8: {  	[tilespmem:s30], [sflag:$0x4] =	stream.indirect_vreg.gather [hbm4b:s2+s3], $0x80, v2, vm0, $0xb8;
	[tilespmem:$0x1C100] =	vst v63  }
0x2c9: {  	s28 =	simm.s32 $0xC900  }
0x2ca: {  	[tilespmem:s28], [sflag:$0x4] =	stream.indirect_vreg.gather [hbm4b:s5+s3], $0x80, v2, vm0, $0xb8;
	[tilespmem:$0x1C100] =	vst v63  }
0x2cb: {  	s30 =	simm.s32 $0xD100  }
0x2cc: {  	[tilespmem:s30], [sflag:$0x4] =	stream.indirect_vreg.gather [hbm4b:s6+s3], $0x80, v2, vm0, $0xb8;
	[tilespmem:$0x1C100] =	vst v63  }
0x2cd: {  	s1 =	simm.s32 $0xD900  }
0x2ce: {  	[tilespmem:s1], [sflag:$0x4] =	stream.indirect_vreg.gather [hbm4b:s7+s3], $0x80, v2, vm0, $0xb8;
	[tilespmem:$0x1C100] =	vst v63  }
0x2cf: {  	s18 =	simm.s32 $0xE100  }
0x2d0: {  	[tilespmem:s18], [sflag:$0x4] =	stream.indirect_vreg.gather [hbm4b:s8+s3], $0x80, v2, vm0, $0xb8;
	[tilespmem:$0x1C100] =	vst v63  }
0x2d1: {  	s28 =	simm.s32 $0xE900  }
0x2d2: {  	[tilespmem:s28], [sflag:$0x4] =	stream.indirect_vreg.gather [hbm4b:s9+s3], $0x80, v2, vm0, $0xb8;
	[tilespmem:$0x1C100] =	vst v63  }
0x2d3: {  	s30 =	simm.s32 $0xF100  }
0x2d4: {  	[tilespmem:s30], [sflag:$0x4] =	stream.indirect_vreg.gather [hbm4b:s10+s3], $0x80, v2, vm0, $0xb8;
	[tilespmem:$0x1C100] =	vst v63  }
0x2d5: {  	s1 =	simm.s32 $0xF900  }
0x2d6: {  	[tilespmem:s1], [sflag:$0x4] =	stream.indirect_vreg.gather [hbm4b:s11+s3], $0x80, v2, vm0, $0xb8;
	[tilespmem:$0x1C100] =	vst v63  }
0x2d7: {  	_ =	swait.ge [sflag:s24], $0x4000  }
0x2d8: {  	s14 =	simm.s32 $0x18100;
	[sflag:s24] =	ssyncset.done $0x0  }
0x2d9: {  	s28 =	simm.s32 $0xC;
	s18 =	rddreg [dreg:$0x18];
	[sflag:s24] =	ssyncadd.s32 $0xFFFFC000  }
0x2da: {  	[hbm4b:s18+s3] =	stream.linear.scatter [tilespmem:s14], [sflag:$0xE], $0x4000, $0x38;
	[tilespmem:$0x1C100] =	vst v63  }
0x2db: {  	_ =	swait.ge [sflag:s28], $0x4000  }
0x2dc: {  	[sflag:s28] =	ssyncset.done $0x0  }
0x2dd: {  	[sflag:s28] =	ssyncadd.s32 $0xFFFFC000  }
0x2de: {  	v2 =	vld.msk [tilespmem:$0xC8], $0xff;
	_ =	sdelay $0x4  }
0x2df: {  	v3 =	vshll.u32 v2, $0x4  }
0x2e0: {  	v2 =	vand.u32 $0x7, v2;
	v3 =	vand.u32 $0xFFFFFF80, v3  }
0x2e1: {  	v2 =	vor.u32 v2, v3  }
0x2e2: {  	v2 =	vperm.xlane v2, v0;
	_ =	sdelay $0x1  }
0x2e3: {  	v2 =	vadd.s32 v1, v2;
	_ =	sdelay $0x4  }
0x2e4: {  	[tilespmem:s0], [sflag:$0x5] =	stream.indirect_vreg.gather [hbm4b:s2+s3], $0x80, v2, vm0, $0xb8;
	[tilespmem:$0x1C100] =	vst v63  }
0x2e5: {  	s30 =	simm.s32 $0x10900  }
0x2e6: {  	[tilespmem:s30], [sflag:$0x5] =	stream.indirect_vreg.gather [hbm4b:s5+s3], $0x80, v2, vm0, $0xb8;
	[tilespmem:$0x1C100] =	vst v63  }
0x2e7: {  	s1 =	simm.s32 $0x11100  }
0x2e8: {  	[tilespmem:s1], [sflag:$0x5] =	stream.indirect_vreg.gather [hbm4b:s6+s3], $0x80, v2, vm0, $0xb8;
	[tilespmem:$0x1C100] =	vst v63  }
0x2e9: {  	s28 =	simm.s32 $0x11900  }
0x2ea: {  	[tilespmem:s28], [sflag:$0x5] =	stream.indirect_vreg.gather [hbm4b:s7+s3], $0x80, v2, vm0, $0xb8;
	[tilespmem:$0x1C100] =	vst v63  }
0x2eb: {  	s30 =	simm.s32 $0x12100  }
0x2ec: {  	[tilespmem:s30], [sflag:$0x5] =	stream.indirect_vreg.gather [hbm4b:s8+s3], $0x80, v2, vm0, $0xb8;
	[tilespmem:$0x1C100] =	vst v63  }
0x2ed: {  	s1 =	simm.s32 $0x12900  }
0x2ee: {  	[tilespmem:s1], [sflag:$0x5] =	stream.indirect_vreg.gather [hbm4b:s9+s3], $0x80, v2, vm0, $0xb8;
	[tilespmem:$0x1C100] =	vst v63  }
0x2ef: {  	s28 =	simm.s32 $0x13100  }
0x2f0: {  	[tilespmem:s28], [sflag:$0x5] =	stream.indirect_vreg.gather [hbm4b:s10+s3], $0x80, v2, vm0, $0xb8;
	[tilespmem:$0x1C100] =	vst v63  }
0x2f1: {  	s30 =	simm.s32 $0x13900  }
0x2f2: {  	[tilespmem:s30], [sflag:$0x5] =	stream.indirect_vreg.gather [hbm4b:s11+s3], $0x80, v2, vm0, $0xb8;
	[tilespmem:$0x1C100] =	vst v63  }
0x2f3: {  	_ =	swait.ge [sflag:s15], $0x4000  }
0x2f4: {  	[sflag:s15] =	ssyncset.done $0x0  }
0x2f5: {  	s0 =	simm.s32 $0x100;
	s1 =	rddreg [dreg:$0x19];
	[sflag:s15] =	ssyncadd.s32 $0xFFFFC000  }
0x2f6: {  	[hbm4b:s1+s3] =	stream.linear.scatter [tilespmem:s0], [sflag:$0x8], $0x4000, $0x38;
	[tilespmem:$0x1C100] =	vst v63  }
0x2f7: {  	_ =	swait.ge [sflag:s26], $0x4000  }
0x2f8: {  	[sflag:s26] =	ssyncset.done $0x0  }
0x2f9: {  	[sflag:s26] =	ssyncadd.s32 $0xFFFFC000  }
0x2fa: {  	v2 =	vld.msk [tilespmem:$0xD0], $0xff;
	_ =	sdelay $0x4  }
0x2fb: {  	v3 =	vshll.u32 v2, $0x4  }
0x2fc: {  	v2 =	vand.u32 $0x7, v2;
	v3 =	vand.u32 $0xFFFFFF80, v3  }
0x2fd: {  	v2 =	vor.u32 v2, v3  }
0x2fe: {  	v2 =	vperm.xlane v2, v0;
	_ =	sdelay $0x1  }
0x2ff: {  	v2 =	vadd.s32 v1, v2;
	_ =	sdelay $0x4  }
0x300: {  	[tilespmem:s17], [sflag:$0x6] =	stream.indirect_vreg.gather [hbm4b:s2+s3], $0x80, v2, vm0, $0xb8;
	[tilespmem:$0x1C100] =	vst v63  }
0x301: {  	s13 =	simm.s32 $0x14900  }
0x302: {  	[tilespmem:s13], [sflag:$0x6] =	stream.indirect_vreg.gather [hbm4b:s5+s3], $0x80, v2, vm0, $0xb8;
	[tilespmem:$0x1C100] =	vst v63  }
0x303: {  	s13 =	simm.s32 $0x15100  }
0x304: {  	[tilespmem:s13], [sflag:$0x6] =	stream.indirect_vreg.gather [hbm4b:s6+s3], $0x80, v2, vm0, $0xb8;
	[tilespmem:$0x1C100] =	vst v63  }
0x305: {  	s28 =	simm.s32 $0x15900  }
0x306: {  	[tilespmem:s28], [sflag:$0x6] =	stream.indirect_vreg.gather [hbm4b:s7+s3], $0x80, v2, vm0, $0xb8;
	[tilespmem:$0x1C100] =	vst v63  }
0x307: {  	s30 =	simm.s32 $0x16100  }
0x308: {  	[tilespmem:s30], [sflag:$0x6] =	stream.indirect_vreg.gather [hbm4b:s8+s3], $0x80, v2, vm0, $0xb8;
	[tilespmem:$0x1C100] =	vst v63  }
0x309: {  	s13 =	simm.s32 $0x16900  }
0x30a: {  	[tilespmem:s13], [sflag:$0x6] =	stream.indirect_vreg.gather [hbm4b:s9+s3], $0x80, v2, vm0, $0xb8;
	[tilespmem:$0x1C100] =	vst v63  }
0x30b: {  	s28 =	simm.s32 $0x17100  }
0x30c: {  	[tilespmem:s28], [sflag:$0x6] =	stream.indirect_vreg.gather [hbm4b:s10+s3], $0x80, v2, vm0, $0xb8;
	[tilespmem:$0x1C100] =	vst v63  }
0x30d: {  	s30 =	simm.s32 $0x17900  }
0x30e: {  	[tilespmem:s30], [sflag:$0x6] =	stream.indirect_vreg.gather [hbm4b:s11+s3], $0x80, v2, vm0, $0xb8;
	[tilespmem:$0x1C100] =	vst v63  }
0x30f: {  	_ =	swait.ge [sflag:s20], $0x4000  }
0x310: {  	[sflag:s20] =	ssyncset.done $0x0  }
0x311: {  	s1 =	simm.s32 $0x4100;
	s13 =	rddreg [dreg:$0x1a];
	[sflag:s20] =	ssyncadd.s32 $0xFFFFC000  }
0x312: {  	[hbm4b:s13+s3] =	stream.linear.scatter [tilespmem:s1], [sflag:$0x9], $0x4000, $0x38;
	[tilespmem:$0x1C100] =	vst v63  }
0x313: {  	_ =	swait.ge [sflag:s12], $0x4000  }
0x314: {  	[sflag:s12] =	ssyncset.done $0x0  }
0x315: {  	[sflag:s12] =	ssyncadd.s32 $0xFFFFC000  }
0x316: {  	v2 =	vld.msk [tilespmem:$0xD8], $0xff;
	_ =	sdelay $0x4  }
0x317: {  	v3 =	vshll.u32 v2, $0x4  }
0x318: {  	v2 =	vand.u32 $0x7, v2;
	v3 =	vand.u32 $0xFFFFFF80, v3  }
0x319: {  	v2 =	vor.u32 v2, v3  }
0x31a: {  	v2 =	vperm.xlane v2, v0;
	_ =	sdelay $0x1  }
0x31b: {  	v2 =	vadd.s32 v1, v2;
	_ =	sdelay $0x4  }
0x31c: {  	[tilespmem:s14], [sflag:$0x7] =	stream.indirect_vreg.gather [hbm4b:s2+s3], $0x80, v2, vm0, $0xb8;
	[tilespmem:$0x1C100] =	vst v63  }
0x31d: {  	s30 =	simm.s32 $0x18900  }
0x31e: {  	[tilespmem:s30], [sflag:$0x7] =	stream.indirect_vreg.gather [hbm4b:s5+s3], $0x80, v2, vm0, $0xb8;
	[tilespmem:$0x1C100] =	vst v63  }
0x31f: {  	s14 =	simm.s32 $0x19100  }
0x320: {  	[tilespmem:s14], [sflag:$0x7] =	stream.indirect_vreg.gather [hbm4b:s6+s3], $0x80, v2, vm0, $0xb8;
	[tilespmem:$0x1C100] =	vst v63  }
0x321: {  	s28 =	simm.s32 $0x19900  }
0x322: {  	[tilespmem:s28], [sflag:$0x7] =	stream.indirect_vreg.gather [hbm4b:s7+s3], $0x80, v2, vm0, $0xb8;
	[tilespmem:$0x1C100] =	vst v63  }
0x323: {  	s30 =	simm.s32 $0x1A100  }
0x324: {  	[tilespmem:s30], [sflag:$0x7] =	stream.indirect_vreg.gather [hbm4b:s8+s3], $0x80, v2, vm0, $0xb8;
	[tilespmem:$0x1C100] =	vst v63  }
0x325: {  	s14 =	simm.s32 $0x1A900  }
0x326: {  	[tilespmem:s14], [sflag:$0x7] =	stream.indirect_vreg.gather [hbm4b:s9+s3], $0x80, v2, vm0, $0xb8;
	[tilespmem:$0x1C100] =	vst v63  }
0x327: {  	s28 =	simm.s32 $0x1B100  }
0x328: {  	[tilespmem:s28], [sflag:$0x7] =	stream.indirect_vreg.gather [hbm4b:s10+s3], $0x80, v2, vm0, $0xb8;
	[tilespmem:$0x1C100] =	vst v63  }
0x329: {  	s30 =	simm.s32 $0x1B900  }
0x32a: {  	[tilespmem:s30], [sflag:$0x7] =	stream.indirect_vreg.gather [hbm4b:s11+s3], $0x80, v2, vm0, $0xb8;
	[tilespmem:$0x1C100] =	vst v63  }
0x32b: {  	_ =	swait.ge [sflag:s23], $0x4000  }
0x32c: {  	s22 =	simm.s32 $0x8100;
	[sflag:s23] =	ssyncset.done $0x0  }
0x32d: {  	s28 =	simm.s32 $0x8;
	s14 =	rddreg [dreg:$0x1b];
	[sflag:s23] =	ssyncadd.s32 $0xFFFFC000  }
0x32e: {  	[hbm4b:s14+s3] =	stream.linear.scatter [tilespmem:s22], [sflag:$0xA], $0x4000, $0x38;
	[tilespmem:$0x1C100] =	vst v63  }
0x32f: {  	_ =	swait.ge [sflag:s28], $0x4000  }
0x330: {  	[sflag:s28] =	ssyncset.done $0x0  }
0x331: {  	[sflag:s28] =	ssyncadd.s32 $0xFFFFC000  }
0x332: {  	v2 =	vld.msk [tilespmem:$0xE0], $0xff;
	_ =	sdelay $0x4  }
0x333: {  	v3 =	vshll.u32 v2, $0x4  }
0x334: {  	v2 =	vand.u32 $0x7, v2;
	v3 =	vand.u32 $0xFFFFFF80, v3  }
0x335: {  	v2 =	vor.u32 v2, v3  }
0x336: {  	v2 =	vperm.xlane v2, v0;
	_ =	sdelay $0x1  }
0x337: {  	v2 =	vadd.s32 v1, v2;
	_ =	sdelay $0x4  }
0x338: {  	[tilespmem:s0], [sflag:$0x1] =	stream.indirect_vreg.gather [hbm4b:s2+s3], $0x80, v2, vm0, $0xb8;
	[tilespmem:$0x1C100] =	vst v63  }
0x339: {  	s30 =	simm.s32 $0x900  }
0x33a: {  	[tilespmem:s30], [sflag:$0x1] =	stream.indirect_vreg.gather [hbm4b:s5+s3], $0x80, v2, vm0, $0xb8;
	[tilespmem:$0x1C100] =	vst v63  }
0x33b: {  	s28 =	simm.s32 $0x1100  }
0x33c: {  	[tilespmem:s28], [sflag:$0x1] =	stream.indirect_vreg.gather [hbm4b:s6+s3], $0x80, v2, vm0, $0xb8;
	[tilespmem:$0x1C100] =	vst v63  }
0x33d: {  	s30 =	simm.s32 $0x1900  }
0x33e: {  	[tilespmem:s30], [sflag:$0x1] =	stream.indirect_vreg.gather [hbm4b:s7+s3], $0x80, v2, vm0, $0xb8;
	[tilespmem:$0x1C100] =	vst v63  }
0x33f: {  	s28 =	simm.s32 $0x2100  }
0x340: {  	[tilespmem:s28], [sflag:$0x1] =	stream.indirect_vreg.gather [hbm4b:s8+s3], $0x80, v2, vm0, $0xb8;
	[tilespmem:$0x1C100] =	vst v63  }
0x341: {  	s30 =	simm.s32 $0x2900  }
0x342: {  	[tilespmem:s30], [sflag:$0x1] =	stream.indirect_vreg.gather [hbm4b:s9+s3], $0x80, v2, vm0, $0xb8;
	[tilespmem:$0x1C100] =	vst v63  }
0x343: {  	s28 =	simm.s32 $0x3100  }
0x344: {  	[tilespmem:s28], [sflag:$0x1] =	stream.indirect_vreg.gather [hbm4b:s10+s3], $0x80, v2, vm0, $0xb8;
	[tilespmem:$0x1C100] =	vst v63  }
0x345: {  	s30 =	simm.s32 $0x3900  }
0x346: {  	[tilespmem:s30], [sflag:$0x1] =	stream.indirect_vreg.gather [hbm4b:s11+s3], $0x80, v2, vm0, $0xb8;
	[tilespmem:$0x1C100] =	vst v63  }
0x347: {  	_ =	swait.ge [sflag:s16], $0x4000  }
0x348: {  	[sflag:s16] =	ssyncset.done $0x0  }
0x349: {  	s30 =	simm.s32 $0xC100;
	s0 =	rddreg [dreg:$0x1c];
	[sflag:s16] =	ssyncadd.s32 $0xFFFFC000  }
0x34a: {  	[hbm4b:s0+s3] =	stream.linear.scatter [tilespmem:s30], [sflag:$0xB], $0x4000, $0x38;
	[tilespmem:$0x1C100] =	vst v63  }
0x34b: {  	_ =	swait.ge [sflag:s19], $0x4000  }
0x34c: {  	[sflag:s19] =	ssyncset.done $0x0  }
0x34d: {  	[sflag:s19] =	ssyncadd.s32 $0xFFFFC000  }
0x34e: {  	v2 =	vld.msk [tilespmem:$0xE8], $0xff;
	_ =	sdelay $0x4  }
0x34f: {  	v3 =	vshll.u32 v2, $0x4  }
0x350: {  	v2 =	vand.u32 $0x7, v2;
	v3 =	vand.u32 $0xFFFFFF80, v3  }
0x351: {  	v2 =	vor.u32 v2, v3  }
0x352: {  	v2 =	vperm.xlane v2, v0;
	_ =	sdelay $0x1  }
0x353: {  	v2 =	vadd.s32 v1, v2;
	_ =	sdelay $0x4  }
0x354: {  	[tilespmem:s1], [sflag:$0x2] =	stream.indirect_vreg.gather [hbm4b:s2+s3], $0x80, v2, vm0, $0xb8;
	[tilespmem:$0x1C100] =	vst v63  }
0x355: {  	s28 =	simm.s32 $0x4900  }
0x356: {  	[tilespmem:s28], [sflag:$0x2] =	stream.indirect_vreg.gather [hbm4b:s5+s3], $0x80, v2, vm0, $0xb8;
	[tilespmem:$0x1C100] =	vst v63  }
0x357: {  	s28 =	simm.s32 $0x5100  }
0x358: {  	[tilespmem:s28], [sflag:$0x2] =	stream.indirect_vreg.gather [hbm4b:s6+s3], $0x80, v2, vm0, $0xb8;
	[tilespmem:$0x1C100] =	vst v63  }
0x359: {  	s28 =	simm.s32 $0x5900  }
0x35a: {  	[tilespmem:s28], [sflag:$0x2] =	stream.indirect_vreg.gather [hbm4b:s7+s3], $0x80, v2, vm0, $0xb8;
	[tilespmem:$0x1C100] =	vst v63  }
0x35b: {  	s28 =	simm.s32 $0x6100  }
0x35c: {  	[tilespmem:s28], [sflag:$0x2] =	stream.indirect_vreg.gather [hbm4b:s8+s3], $0x80, v2, vm0, $0xb8;
	[tilespmem:$0x1C100] =	vst v63  }
0x35d: {  	s28 =	simm.s32 $0x6900  }
0x35e: {  	[tilespmem:s28], [sflag:$0x2] =	stream.indirect_vreg.gather [hbm4b:s9+s3], $0x80, v2, vm0, $0xb8;
	[tilespmem:$0x1C100] =	vst v63  }
0x35f: {  	s28 =	simm.s32 $0x7100  }
0x360: {  	[tilespmem:s28], [sflag:$0x2] =	stream.indirect_vreg.gather [hbm4b:s10+s3], $0x80, v2, vm0, $0xb8;
	[tilespmem:$0x1C100] =	vst v63  }
0x361: {  	s28 =	simm.s32 $0x7900  }
0x362: {  	[tilespmem:s28], [sflag:$0x2] =	stream.indirect_vreg.gather [hbm4b:s11+s3], $0x80, v2, vm0, $0xb8;
	[tilespmem:$0x1C100] =	vst v63  }
0x363: {  	_ =	swait.ge [sflag:s25], $0x4000  }
0x364: {  	[sflag:s25] =	ssyncset.done $0x0  }
0x365: {  	s1 =	rddreg [dreg:$0x1d];
	[sflag:s25] =	ssyncadd.s32 $0xFFFFC000;
	s25 =	simm.s32 $0x10100  }
0x366: {  	[hbm4b:s1+s3] =	stream.linear.scatter [tilespmem:s25], [sflag:$0xC], $0x4000, $0x38;
	[tilespmem:$0x1C100] =	vst v63  }
0x367: {  	_ =	swait.ge [sflag:s21], $0x4000  }
0x368: {  	[sflag:s21] =	ssyncset.done $0x0  }
0x369: {  	[sflag:s21] =	ssyncadd.s32 $0xFFFFC000  }
0x36a: {  	v2 =	vld.msk [tilespmem:$0xF0], $0xff;
	_ =	sdelay $0x4  }
0x36b: {  	v3 =	vshll.u32 v2, $0x4  }
0x36c: {  	v2 =	vand.u32 $0x7, v2;
	v3 =	vand.u32 $0xFFFFFF80, v3  }
0x36d: {  	v2 =	vor.u32 v2, v3  }
0x36e: {  	v2 =	vperm.xlane v2, v0;
	_ =	sdelay $0x1  }
0x36f: {  	v2 =	vadd.s32 v1, v2;
	_ =	sdelay $0x4  }
0x370: {  	[tilespmem:s22], [sflag:$0x3] =	stream.indirect_vreg.gather [hbm4b:s2+s3], $0x80, v2, vm0, $0xb8;
	[tilespmem:$0x1C100] =	vst v63  }
0x371: {  	_ = 	snop  }
0x372: {  	[tilespmem:s31], [sflag:$0x3] =	stream.indirect_vreg.gather [hbm4b:s5+s3], $0x80, v2, vm0, $0xb8;
	[tilespmem:$0x1C100] =	vst v63  }
0x373: {  	s25 =	simm.s32 $0x9100  }
0x374: {  	[tilespmem:s25], [sflag:$0x3] =	stream.indirect_vreg.gather [hbm4b:s6+s3], $0x80, v2, vm0, $0xb8;
	[tilespmem:$0x1C100] =	vst v63  }
0x375: {  	s28 =	simm.s32 $0x9900  }
0x376: {  	[tilespmem:s28], [sflag:$0x3] =	stream.indirect_vreg.gather [hbm4b:s7+s3], $0x80, v2, vm0, $0xb8;
	[tilespmem:$0x1C100] =	vst v63  }
0x377: {  	s31 =	simm.s32 $0xA100  }
0x378: {  	[tilespmem:s31], [sflag:$0x3] =	stream.indirect_vreg.gather [hbm4b:s8+s3], $0x80, v2, vm0, $0xb8;
	[tilespmem:$0x1C100] =	vst v63  }
0x379: {  	s25 =	simm.s32 $0xA900  }
0x37a: {  	[tilespmem:s25], [sflag:$0x3] =	stream.indirect_vreg.gather [hbm4b:s9+s3], $0x80, v2, vm0, $0xb8;
	[tilespmem:$0x1C100] =	vst v63  }
0x37b: {  	s28 =	simm.s32 $0xB100  }
0x37c: {  	[tilespmem:s28], [sflag:$0x3] =	stream.indirect_vreg.gather [hbm4b:s10+s3], $0x80, v2, vm0, $0xb8;
	[tilespmem:$0x1C100] =	vst v63  }
0x37d: {  	s31 =	simm.s32 $0xB900  }
0x37e: {  	[tilespmem:s31], [sflag:$0x3] =	stream.indirect_vreg.gather [hbm4b:s11+s3], $0x80, v2, vm0, $0xb8;
	[tilespmem:$0x1C100] =	vst v63  }
0x37f: {  	_ =	swait.ge [sflag:s29], $0x4000  }
0x380: {  	[sflag:s29] =	ssyncset.done $0x0  }
0x381: {  	s17 =	simm.s32 $0x14100;
	s25 =	rddreg [dreg:$0x1e];
	[sflag:s29] =	ssyncadd.s32 $0xFFFFC000  }
0x382: {  	[hbm4b:s25+s3] =	stream.linear.scatter [tilespmem:s17], [sflag:$0xD], $0x4000, $0x38;
	[tilespmem:$0x1C100] =	vst v63  }
0x383: {  	_ =	swait.ge [sflag:s4], $0x4000  }
0x384: {  	[sflag:s4] =	ssyncset.done $0x0  }
0x385: {  	[sflag:s4] =	ssyncadd.s32 $0xFFFFC000  }
0x386: {  	v2 =	vld.msk [tilespmem:$0xF8], $0xff;
	_ =	sdelay $0x4  }
0x387: {  	v3 =	vshll.u32 v2, $0x4  }
0x388: {  	v2 =	vand.u32 $0x7, v2;
	v3 =	vand.u32 $0xFFFFFF80, v3  }
0x389: {  	v2 =	vor.u32 v2, v3  }
0x38a: {  	v2 =	vperm.xlane v2, v0;
	_ =	sdelay $0x1  }
0x38b: {  	v2 =	vadd.s32 v1, v2;
	_ =	sdelay $0x4  }
0x38c: {  	[tilespmem:s30], [sflag:$0x4] =	stream.indirect_vreg.gather [hbm4b:s2+s3], $0x80, v2, vm0, $0xb8;
	[tilespmem:$0x1C100] =	vst v63  }
0x38d: {  	s28 =	simm.s32 $0xC900  }
0x38e: {  	[tilespmem:s28], [sflag:$0x4] =	stream.indirect_vreg.gather [hbm4b:s5+s3], $0x80, v2, vm0, $0xb8;
	[tilespmem:$0x1C100] =	vst v63  }
0x38f: {  	s29 =	simm.s32 $0xD100  }
0x390: {  	[tilespmem:s29], [sflag:$0x4] =	stream.indirect_vreg.gather [hbm4b:s6+s3], $0x80, v2, vm0, $0xb8;
	[tilespmem:$0x1C100] =	vst v63  }
0x391: {  	s30 =	simm.s32 $0xD900  }
0x392: {  	[tilespmem:s30], [sflag:$0x4] =	stream.indirect_vreg.gather [hbm4b:s7+s3], $0x80, v2, vm0, $0xb8;
	[tilespmem:$0x1C100] =	vst v63  }
0x393: {  	s31 =	simm.s32 $0xE100  }
0x394: {  	[tilespmem:s31], [sflag:$0x4] =	stream.indirect_vreg.gather [hbm4b:s8+s3], $0x80, v2, vm0, $0xb8;
	[tilespmem:$0x1C100] =	vst v63  }
0x395: {  	s25 =	simm.s32 $0xE900  }
0x396: {  	[tilespmem:s25], [sflag:$0x4] =	stream.indirect_vreg.gather [hbm4b:s9+s3], $0x80, v2, vm0, $0xb8;
	[tilespmem:$0x1C100] =	vst v63  }
0x397: {  	s28 =	simm.s32 $0xF100  }
0x398: {  	[tilespmem:s28], [sflag:$0x4] =	stream.indirect_vreg.gather [hbm4b:s10+s3], $0x80, v2, vm0, $0xb8;
	[tilespmem:$0x1C100] =	vst v63  }
0x399: {  	s29 =	simm.s32 $0xF900  }
0x39a: {  	[tilespmem:s29], [sflag:$0x4] =	stream.indirect_vreg.gather [hbm4b:s11+s3], $0x80, v2, vm0, $0xb8;
	[tilespmem:$0x1C100] =	vst v63  }
0x39b: {  	_ =	swait.ge [sflag:s24], $0x4000  }
0x39c: {  	[sflag:s24] =	ssyncset.done $0x0  }
0x39d: {  	s31 =	simm.s32 $0x18100;
	s30 =	rddreg [dreg:$0x1f];
	[sflag:s24] =	ssyncadd.s32 $0xFFFFC000  }
0x39e: {  	[hbm4b:s30+s3] =	stream.linear.scatter [tilespmem:s31], [sflag:$0xE], $0x4000, $0x38;
	[tilespmem:$0x1C100] =	vst v63  }
0x39f: {  	_ =	swait.ge [sflag:s15], $0x4000  }
0x3a0: {  	s24 =	sld [smem:$0x7F7]  }
0x3a1: {  	[sflag:s15] =	ssyncset.done $0x0  }
0x3a2: {  	s14 =	simm.s32 $0x100;
	[sflag:s15] =	ssyncadd.s32 $0xFFFFC000  }
0x3a3: {  	[hbm4b:s24+s3] =	stream.linear.scatter [tilespmem:s14], [sflag:$0x8], $0x4000, $0x38;
	[tilespmem:$0x1C100] =	vst v63  }
0x3a4: {  	_ =	swait.ge [sflag:s20], $0x4000  }
0x3a5: {  	s25 =	sld [smem:$0x7F8]  }
0x3a6: {  	[sflag:s20] =	ssyncset.done $0x0  }
0x3a7: {  	s0 =	simm.s32 $0x4100;
	[sflag:s20] =	ssyncadd.s32 $0xFFFFC000  }
0x3a8: {  	[hbm4b:s25+s3] =	stream.linear.scatter [tilespmem:s0], [sflag:$0x9], $0x4000, $0x38;
	[tilespmem:$0x1C100] =	vst v63  }
0x3a9: {  	_ =	swait.ge [sflag:s23], $0x4000  }
0x3aa: {  	s29 =	sld [smem:$0x7F9]  }
0x3ab: {  	[sflag:s23] =	ssyncset.done $0x0  }
0x3ac: {  	[sflag:s23] =	ssyncadd.s32 $0xFFFFC000  }
0x3ad: {  	[hbm4b:s29+s3] =	stream.linear.scatter [tilespmem:s22], [sflag:$0xA], $0x4000, $0x38;
	[tilespmem:$0x1C100] =	vst v63  }
0x3ae: {  	_ =	swait.ge [sflag:s16], $0x4000  }
0x3af: {  	s30 =	sld [smem:$0x7FB]  }
0x3b0: {  	[sflag:s16] =	ssyncset.done $0x0  }
0x3b1: {  	s18 =	simm.s32 $0xC;
	s17 =	simm.s32 $0xC100;
	[sflag:s16] =	ssyncadd.s32 $0xFFFFC000  }
0x3b2: {  	[hbm4b:s30+s3] =	stream.linear.scatter [tilespmem:s17], [sflag:$0xB], $0x4000, $0x38;
	[tilespmem:$0x1C100] =	vst v63  }
0x3b3: {  	_ =	swait.ge [sflag:s18], $0x4000  }
0x3b4: {  	[sflag:s18] =	ssyncset.done $0x0  }
0x3b5: {  	[sflag:s18] =	ssyncadd.s32 $0xFFFFC000  }
0x3b6: {  	_ =	swait.ge [sflag:s26], $0x4000  }
0x3b7: {  	[sflag:s26] =	ssyncset.done $0x0  }
0x3b8: {  	[sflag:s26] =	ssyncadd.s32 $0xFFFFC000  }
0x3b9: {  	_ =	swait.ge [sflag:s12], $0x4000  }
0x3ba: {  	[sflag:s12] =	ssyncset.done $0x0  }
0x3bb: {  	s13 =	simm.s32 $0x8;
	[sflag:s12] =	ssyncadd.s32 $0xFFFFC000  }
0x3bc: {  	s31 =	sld [smem:$0x7F6];
	_ =	swait.ge [sflag:s13], $0x4000  }
0x3bd: {  	[sflag:s13] =	ssyncset.done $0x0  }
0x3be: {  	[sflag:s13] =	ssyncadd.s32 $0xFFFFC000  }
0x3bf: {  	_ =	swait.ge [sflag:s19], $0x4000  }
0x3c0: {  	[sflag:s19] =	ssyncset.done $0x0  }
0x3c1: {  	[sflag:s19] =	ssyncadd.s32 $0xFFFFC000  }
0x3c2: {  	p0 =	sne.s32 s31, $0x1;
	_ =	swait.ge [sflag:s21], $0x4000  }
.Ltmp0:
0x3c3: {  	[sflag:s21] =	ssyncset.done $0x0;
	(pc) =	sbr.rel @p0 .LBB2_1-.Ltmp0, $4  }
0x3c4: {  	[sflag:s21] =	ssyncadd.s32 $0xFFFFC000  }
0x3c5: {  	_ =	swait.ge [sflag:s4], $0x4000  }
0x3c6: {  	[sflag:s4] =	ssyncset.done $0x0  }
0x3c7: {  	s12 =	sadd.s32 $0xFFFFFFFF, s31;
	[sflag:s4] =	ssyncadd.s32 $0xFFFFC000  }
0x3c8: {  	_ =	sfence.sel $0x180000  }
0x3c9: {  	[bflag:$0x0] =	sbarrier.arrive $0xFFFF  }
0x3ca: {  	_ =	strace $0x90000047  }
0x3cb: {  	s0 =	stileid.u32;
	[bflag:$0x2] =	sbarrier.arrive $0xFFFF  }
0x3cc: {  	p0 =	sne.s32 s0, $0x0;
	s0 =	rddreg [dreg:$0x3]  }
0x3cd: {  	s0 =	sadd.s32 @!p0 $0x100000, s0  }
0x3ce: {  	[sflag:s0] =	ssyncadd.tile.s32 @!p0 $0x1;
	_ =	shalt  }
.Lfunc_end2:
_tile_overlayer_lowered:
.L_overlay_start_2:
0x3cf: {  	(tag) =	ssettag $0x2  }
0x3d0: {  	s0 =	rddreg [dreg:$0x0];
	s2 =	stileid.u32  }
0x3d1: {  	s1 =	rddreg [dreg:$0x1];
	p0 =	sne.s32 s2, $0x0  }
0x3d2: {  	s3 =	rddreg [dreg:$0x2];
	[bflag:$0x3] =	sbarrier.arrive $0xFFFF;
	s2 =	simm.s32 @!p0 $0x1C0F  }
0x3d3: {  	[timem:s3], [sflag:s2] =	dma.local @!p0 [hbm:s0], s1  }
0x3d4: {  	s0 =	simm.s32 @!p0 $0xF  }
0x3d5: {  	_ =	swait.ge @!p0 [sflag:s0], s1  }
0x3d6: {  	s1 =	ssub.s32 @!p0 $0x0, s1;
	[sflag:s0] =	ssyncset.done @!p0 $0x0  }
0x3d7: {  	[sflag:s0] =	ssyncadd.s32 @!p0 s1  }
0x3d8: {  	[bflag:$0x3] =	sbarrier.arrive $0xFFFF  }
0x3d9: {  	_ =	shalt  }

</sc_bundles>
